<compile_context>
chip_gen: v7x
topology: tpu7x:2x2x1
jax: 0.10.2.dev20260603
libtpu: 0.0.44.dev20260713+nightly
codegen_flags: <defaults>
</compile_context>

<pallas_src>
import functools

import jax
import jax.numpy as jnp
from jax import lax
from jax.experimental import pallas as pl
from jax.experimental.pallas import tpu as pltpu
from jax.experimental.pallas import tpu_sc as plsc

NC = 2
NS = 16
NW = NC * NS
L = 16

NG = 4
NO = 2
D = 32


@functools.lru_cache(maxsize=None)
def _build_conv_in(vocab, d):
    assert d == D
    grp = 128 // d
    n_j = 16
    VB = n_j * 128 // grp
    n_steps = -(-(vocab // grp) // VB)

    def body(t_ref, o_ref):
        a3 = t_ref[...].reshape(d, n_j, 128)
        r_ids = lax.broadcasted_iota(jnp.int32, (128, 128), 0)
        u_ids = lax.broadcasted_iota(jnp.int32, (128, 128), 1)
        e_all = (u_ids == grp * (r_ids % (128 // grp)) +
                 r_ids // (128 // grp)).astype(jnp.float32)
        for j in range(n_j):
            a_j = a3[:, j, :]
            sel = lax.dot_general(
                e_all, a_j, (((1,), (1,)), ((), ())),
                preferred_element_type=jnp.float32)
            for p in range(grp):
                o_ref[pl.ds(j * 128 // grp, 128 // grp),
                      pl.ds(p * d, d)] = sel[
                    p * 128 // grp:(p + 1) * 128 // grp, :]

    return pl.pallas_call(
        body,
        grid=(n_steps,),
        in_specs=[pl.BlockSpec((d, grp * VB), lambda g: (0, g))],
        out_specs=pl.BlockSpec((VB, 128), lambda g: (g, 0)),
        out_shape=jax.ShapeDtypeStruct((vocab // grp, 128), jnp.float32),
    )


@functools.lru_cache(maxsize=None)
def _build_emb(batch, seq, vocab, d):
    assert d == D
    rows_per_w = batch // NW
    n_groups = rows_per_w // NG
    assert rows_per_w % NG == 0
    row128 = seq * d // 128
    mesh = plsc.VectorSubcoreMesh(core_axis_name="c", subcore_axis_name="s")

    @functools.partial(
        pl.kernel,
        mesh=mesh,
        out_type=jax.ShapeDtypeStruct((batch * row128, 128), jnp.float32),
        scratch_types=(
            [pltpu.VMEM((rows_per_w, seq), jnp.int32),
             pltpu.VMEM((seq * d,), jnp.float32)]
            + [pltpu.VMEM((seq, d), jnp.float32) for _ in range(NG)]
            + [pltpu.VMEM((row128, 128), jnp.float32) for _ in range(NO)]
            + [pltpu.SemaphoreType.DMA for _ in range(NG + NO)]
        ),
        compiler_params=pltpu.CompilerParams(use_tc_tiling_on_sc=False),
    )
    def emb(x_hbm, tok_hbm, pos_hbm, out_hbm, *scratch):
        idx_v = scratch[0]
        pos_v = scratch[1]
        gbufs = scratch[2:2 + NG]
        obufs = scratch[2 + NG:2 + NG + NO]
        gsems = scratch[2 + NG + NO:2 + NG + NO + NG]
        osems = scratch[2 + NG + NO + NG:]

        wid = lax.axis_index("s") * NC + lax.axis_index("c")
        base_row = wid * rows_per_w

        pltpu.sync_copy(x_hbm.at[pl.ds(base_row, rows_per_w)], idx_v)
        pltpu.sync_copy(pos_hbm, pos_v)

        def gather_start(r, slot):
            pltpu.make_async_copy(
                tok_hbm.at[idx_v.at[r]], gbufs[slot], gsems[slot]
            ).start()

        def gather_wait(r, slot):
            pltpu.make_async_copy(
                tok_hbm.at[idx_v.at[r]], gbufs[slot], gsems[slot]
            ).wait()

        def out_copy(r, slot):
            return pltpu.make_async_copy(
                obufs[slot],
                out_hbm.at[pl.ds((base_row + r) * row128, row128)],
                osems[slot],
            )

        grp = 128 // d

        for b in range(NG):
            gather_start(b, b)

        def group(g, _):
            r0 = g * NG
            for b in range(NG):
                r = r0 + b
                oslot = b % NO
                gather_wait(r, b)
                @pl.when(r >= NO)
                def _():
                    out_copy(r - NO, oslot).wait()

                def addrow(q, _):
                    for p in range(grp):
                        i = q * grp + p
                        for h in range(d // L):
                            tok = gbufs[b][i, pl.ds(h * L, L)]
                            pos = pos_v[pl.ds(i * d + h * L, L)]
                            obufs[oslot][q, pl.ds(p * d + h * L, L)] = tok + pos
                    return 0

                lax.fori_loop(0, row128, addrow, 0)
                out_copy(r, oslot).start()
                @pl.when(r + NG < rows_per_w)
                def _():
                    gather_start(r + NG, b)
            return 0

        lax.fori_loop(0, n_groups, group, 0)

        for b in range(NO):
            r = rows_per_w - NO + b
            out_copy(r, r % NO).wait()

    return emb


@functools.lru_cache(maxsize=None)
def _build_conv_out(batch, seq, d):
    assert d == D
    grp = 128 // d
    row128 = seq * d // 128
    BB = 128

    def body(i_ref, o_ref):
        a3 = i_ref[...].reshape(BB, row128, 128)
        for t in range(row128):
            o_ref[pl.ds(t * 128, 128), :] = a3[:, t, :].T

    return pl.pallas_call(
        body,
        grid=(batch // BB,),
        in_specs=[pl.BlockSpec((BB * row128, 128), lambda g: (g, 0))],
        out_specs=pl.BlockSpec((seq * d, BB), lambda g: (0, g)),
        out_shape=jax.ShapeDtypeStruct((seq * d, batch), jnp.float32),
    )


def kernel(x, token_table, position_table):
    batch, seq = x.shape
    vocab, d = token_table.shape
    pos_flat = position_table[:seq].reshape(-1)

    tok_lin = _build_conv_in(vocab, d)(token_table.T)
    tok_rows = tok_lin.reshape(vocab, d)
    out_sc = _build_emb(batch, seq, vocab, d)(x, tok_rows, pos_flat)
    out_t = _build_conv_out(batch, seq, d)(out_sc)
    return out_t.reshape(seq, d, batch).transpose(2, 0, 1)

# --- scband reference (transcript-rebuilt; emitter-appended) ---
"""Pipeline reference for scband-embedding-layer-20813411516934 (READ-ONLY COPY).

The authoritative reference and input builder live on the scoring server;
editing this copy changes nothing except your own understanding.
"""

import jax, jax.numpy as jnp
import numpy as np

VOCAB_SIZE = 1000000
EMBED_DIM = 32
MAX_LEN = 200
BATCH = 4096
SEQ = 200

def setup_inputs(seed: int = 0) -> dict:
    key = jax.random.key(seed)
    k_x, k_tok, k_pos = jax.random.split(key, 3)
    x = jax.random.randint(k_x, (BATCH, SEQ), 0, VOCAB_SIZE, dtype=jnp.int64 if jax.config.jax_enable_x64 else jnp.int32)
    # Keras Embedding default initializer is uniform(-0.05, 0.05)
    token_table = jax.random.uniform(k_tok, (VOCAB_SIZE, EMBED_DIM), minval=-0.05, maxval=0.05, dtype=jnp.float32)
    position_table = jax.random.uniform(k_pos, (MAX_LEN, EMBED_DIM), minval=-0.05, maxval=0.05, dtype=jnp.float32)
    return {"x": x, "token_table": token_table, "position_table": position_table}

def reference(x, token_table, position_table):
    seq_len = x.shape[-1]
    positions = jnp.arange(0, seq_len)
    pos_emb = jnp.take(position_table, positions, axis=0)  # [seq, d]
    tok_emb = jnp.take(token_table, x, axis=0)             # [B, seq, d]
    return tok_emb + pos_emb[None, :, :]

if False:  # reference __main__ guard neutralized (emitter)
    out = reference(**setup_inputs())
    print(out.shape, out.dtype)

if __name__ == "__main__":
    import jax
    _d = setup_inputs()
    print(jax.jit(kernel)(*tuple(_d.values())))

</pallas_src>

<mosaic_0001>
#map = affine_map<(d0, d1) -> (0, 0)>
#map1 = affine_map<(d0, d1) -> (0)>
module attributes {stable_mosaic.version = 14 : i64} {
  func.func @emb(%arg0: i32, %arg1: i32, %arg2: memref<4096x200xi32, #tpu.memory_space<hbm>>, %arg3: memref<1000000x32xf32, #tpu.memory_space<hbm>>, %arg4: memref<6400xf32, #tpu.memory_space<hbm>>, %arg5: memref<204800x128xf32, #tpu.memory_space<hbm>>, %arg6: memref<128x200xi32, #tpu.memory_space<vmem>>, %arg7: memref<6400xf32, #tpu.memory_space<vmem>>, %arg8: memref<200x32xf32, #tpu.memory_space<vmem>>, %arg9: memref<200x32xf32, #tpu.memory_space<vmem>>, %arg10: memref<200x32xf32, #tpu.memory_space<vmem>>, %arg11: memref<200x32xf32, #tpu.memory_space<vmem>>, %arg12: memref<50x128xf32, #tpu.memory_space<vmem>>, %arg13: memref<50x128xf32, #tpu.memory_space<vmem>>, %arg14: memref<!tpu.dma_semaphore, #tpu.memory_space<semaphore_mem>>, %arg15: memref<!tpu.dma_semaphore, #tpu.memory_space<semaphore_mem>>, %arg16: memref<!tpu.dma_semaphore, #tpu.memory_space<semaphore_mem>>, %arg17: memref<!tpu.dma_semaphore, #tpu.memory_space<semaphore_mem>>, %arg18: memref<!tpu.dma_semaphore, #tpu.memory_space<semaphore_mem>>, %arg19: memref<!tpu.dma_semaphore, #tpu.memory_space<semaphore_mem>>) attributes {dimension_semantics = [#tpu.dimension_semantics<core_parallel>, #tpu.dimension_semantics<subcore_parallel>], iteration_bounds = array<i64: 2, 16>, scalar_prefetch = 0 : i64, scratch_operands = 14 : i64, tpu.core_type = #tpu.core_type<sc_vector_subcore>, window_params = [{transform_indices = #map}, {transform_indices = #map}, {transform_indices = #map1}, {transform_indices = #map}]} {
    %mul3A = arith.constant 2 : i32
    %mul3A_0 = arith.muli %arg1, %mul3A : i32
    %add3A = arith.addi %mul3A_0, %arg0 : i32
    %mul3A_1 = arith.constant 128 : i32
    %mul3A_2 = arith.muli %add3A, %mul3A_1 : i32
    "tpu.region"() ({
      %run_scoped3A = tpu.sem_alloc : memref<!tpu.dma_semaphore, #tpu.memory_space<semaphore_mem>>
      %dma_start3A_51 = arith.constant 0 : i32
      %dma_start3A_52 = tpu.memref_slice %arg2[%mul3A_2, %dma_start3A_51] : memref<4096x200xi32, #tpu.memory_space<hbm>> -> memref<128x200xi32, #tpu.memory_space<hbm>>
      %dma_start3A_53 = arith.constant 0 : i32
      %dma_start3A_54 = tpu.memref_slice %arg2[%mul3A_2, %dma_start3A_53] : memref<4096x200xi32, #tpu.memory_space<hbm>> -> memref<128x200xi32, #tpu.memory_space<hbm>>
      tpu.enqueue_dma source(%dma_start3A_54 : memref<128x200xi32, #tpu.memory_space<hbm>>) target(%arg6 : memref<128x200xi32, #tpu.memory_space<vmem>>) target_semaphore(%run_scoped3A : memref<!tpu.dma_semaphore, #tpu.memory_space<semaphore_mem>>)
      %dma_wait3A_55 = arith.constant 0 : i32
      %dma_wait3A_56 = tpu.memref_slice %arg2[%mul3A_2, %dma_wait3A_55] : memref<4096x200xi32, #tpu.memory_space<hbm>> -> memref<128x200xi32, #tpu.memory_space<hbm>>
      %dma_wait3A_57 = arith.constant 0 : i32
      %dma_wait3A_58 = tpu.memref_slice %arg2[%mul3A_2, %dma_wait3A_57] : memref<4096x200xi32, #tpu.memory_space<hbm>> -> memref<128x200xi32, #tpu.memory_space<hbm>>
      tpu.wait_dma2 semaphore(%run_scoped3A : memref<!tpu.dma_semaphore, #tpu.memory_space<semaphore_mem>>) src(%dma_wait3A_58 : memref<128x200xi32, #tpu.memory_space<hbm>>) dst(%arg6 : memref<128x200xi32, #tpu.memory_space<vmem>>)
      tpu.yield
    }) : () -> ()
    "tpu.region"() ({
      %run_scoped3A = tpu.sem_alloc : memref<!tpu.dma_semaphore, #tpu.memory_space<semaphore_mem>>
      tpu.enqueue_dma source(%arg4 : memref<6400xf32, #tpu.memory_space<hbm>>) target(%arg7 : memref<6400xf32, #tpu.memory_space<vmem>>) target_semaphore(%run_scoped3A : memref<!tpu.dma_semaphore, #tpu.memory_space<semaphore_mem>>)
      tpu.wait_dma2 semaphore(%run_scoped3A : memref<!tpu.dma_semaphore, #tpu.memory_space<semaphore_mem>>) src(%arg4 : memref<6400xf32, #tpu.memory_space<hbm>>) dst(%arg7 : memref<6400xf32, #tpu.memory_space<vmem>>)
      tpu.yield
    }) : () -> ()
    %dma_start3A = arith.constant 0 : i32
    %dma_start3A_3 = arith.constant 0 : i32
    %dma_start3A_4 = tpu.memref_slice %arg6[%dma_start3A, %dma_start3A_3] : memref<128x200xi32, #tpu.memory_space<vmem>> -> memref<1x200xi32, #tpu.memory_space<vmem>>
    %dma_start3A_5 = tpu.memref_squeeze %dma_start3A_4 : memref<1x200xi32, #tpu.memory_space<vmem>> -> memref<200xi32, #tpu.memory_space<vmem>>
    %dma_start3A_6 = arith.constant 0 : i32
    %dma_start3A_7 = arith.constant 0 : i32
    %dma_start3A_8 = tpu.memref_slice %arg3[%dma_start3A_6, %dma_start3A_7] : memref<1000000x32xf32, #tpu.memory_space<hbm>> -> memref<1000000x32xf32, #tpu.memory_space<hbm>>
    tpu.enqueue_indirect_dma source(%dma_start3A_8 : memref<1000000x32xf32, #tpu.memory_space<hbm>>) target(%arg8 : memref<200x32xf32, #tpu.memory_space<vmem>>) offsets(%dma_start3A_5 : memref<200xi32, #tpu.memory_space<vmem>>) semaphore(%arg14 : memref<!tpu.dma_semaphore, #tpu.memory_space<semaphore_mem>>)
    %dma_start3A_9 = arith.constant 1 : i32
    %dma_start3A_10 = arith.constant 0 : i32
    %dma_start3A_11 = tpu.memref_slice %arg6[%dma_start3A_9, %dma_start3A_10] : memref<128x200xi32, #tpu.memory_space<vmem>> -> memref<1x200xi32, #tpu.memory_space<vmem>>
    %dma_start3A_12 = tpu.memref_squeeze %dma_start3A_11 : memref<1x200xi32, #tpu.memory_space<vmem>> -> memref<200xi32, #tpu.memory_space<vmem>>
    %dma_start3A_13 = arith.constant 0 : i32
    %dma_start3A_14 = arith.constant 0 : i32
    %dma_start3A_15 = tpu.memref_slice %arg3[%dma_start3A_13, %dma_start3A_14] : memref<1000000x32xf32, #tpu.memory_space<hbm>> -> memref<1000000x32xf32, #tpu.memory_space<hbm>>
    tpu.enqueue_indirect_dma source(%dma_start3A_15 : memref<1000000x32xf32, #tpu.memory_space<hbm>>) target(%arg9 : memref<200x32xf32, #tpu.memory_space<vmem>>) offsets(%dma_start3A_12 : memref<200xi32, #tpu.memory_space<vmem>>) semaphore(%arg15 : memref<!tpu.dma_semaphore, #tpu.memory_space<semaphore_mem>>)
    %dma_start3A_16 = arith.constant 2 : i32
    %dma_start3A_17 = arith.constant 0 : i32
    %dma_start3A_18 = tpu.memref_slice %arg6[%dma_start3A_16, %dma_start3A_17] : memref<128x200xi32, #tpu.memory_space<vmem>> -> memref<1x200xi32, #tpu.memory_space<vmem>>
    %dma_start3A_19 = tpu.memref_squeeze %dma_start3A_18 : memref<1x200xi32, #tpu.memory_space<vmem>> -> memref<200xi32, #tpu.memory_space<vmem>>
    %dma_start3A_20 = arith.constant 0 : i32
    %dma_start3A_21 = arith.constant 0 : i32
    %dma_start3A_22 = tpu.memref_slice %arg3[%dma_start3A_20, %dma_start3A_21] : memref<1000000x32xf32, #tpu.memory_space<hbm>> -> memref<1000000x32xf32, #tpu.memory_space<hbm>>
    tpu.enqueue_indirect_dma source(%dma_start3A_22 : memref<1000000x32xf32, #tpu.memory_space<hbm>>) target(%arg10 : memref<200x32xf32, #tpu.memory_space<vmem>>) offsets(%dma_start3A_19 : memref<200xi32, #tpu.memory_space<vmem>>) semaphore(%arg16 : memref<!tpu.dma_semaphore, #tpu.memory_space<semaphore_mem>>)
    %dma_start3A_23 = arith.constant 3 : i32
    %dma_start3A_24 = arith.constant 0 : i32
    %dma_start3A_25 = tpu.memref_slice %arg6[%dma_start3A_23, %dma_start3A_24] : memref<128x200xi32, #tpu.memory_space<vmem>> -> memref<1x200xi32, #tpu.memory_space<vmem>>
    %dma_start3A_26 = tpu.memref_squeeze %dma_start3A_25 : memref<1x200xi32, #tpu.memory_space<vmem>> -> memref<200xi32, #tpu.memory_space<vmem>>
    %dma_start3A_27 = arith.constant 0 : i32
    %dma_start3A_28 = arith.constant 0 : i32
    %dma_start3A_29 = tpu.memref_slice %arg3[%dma_start3A_27, %dma_start3A_28] : memref<1000000x32xf32, #tpu.memory_space<hbm>> -> memref<1000000x32xf32, #tpu.memory_space<hbm>>
    tpu.enqueue_indirect_dma source(%dma_start3A_29 : memref<1000000x32xf32, #tpu.memory_space<hbm>>) target(%arg11 : memref<200x32xf32, #tpu.memory_space<vmem>>) offsets(%dma_start3A_26 : memref<200xi32, #tpu.memory_space<vmem>>) semaphore(%arg17 : memref<!tpu.dma_semaphore, #tpu.memory_space<semaphore_mem>>)
    %scan3A = arith.constant 0 : i32
    %scan3A_30 = arith.constant 0 : i32
    %scan3A_31 = arith.constant 32 : i32
    %scan3A_32 = arith.addi %scan3A_30, %scan3A_31 : i32
    %scan3A_33 = arith.constant 1 : i32
    %scan3A_34 = scf.for %scan3A_51 = %scan3A_30 to %scan3A_32 step %scan3A_33 iter_args(%scan3A_52 = %scan3A) -> (i32)  : i32 {
      %mul3A_53 = arith.constant 4 : i32
      %mul3A_54 = arith.muli %scan3A_51, %mul3A_53 : i32
      %add3A_55 = arith.constant 0 : i32
      %add3A_56 = arith.addi %mul3A_54, %add3A_55 : i32
      %dma_wait3A_57 = arith.constant 0 : i32
      %dma_wait3A_58 = tpu.memref_slice %arg6[%add3A_56, %dma_wait3A_57] : memref<128x200xi32, #tpu.memory_space<vmem>> -> memref<1x200xi32, #tpu.memory_space<vmem>>
      %dma_wait3A_59 = tpu.memref_squeeze %dma_wait3A_58 : memref<1x200xi32, #tpu.memory_space<vmem>> -> memref<200xi32, #tpu.memory_space<vmem>>
      %dma_wait3A_60 = arith.constant 0 : i32
      %dma_wait3A_61 = arith.constant 0 : i32
      %dma_wait3A_62 = tpu.memref_slice %arg3[%dma_wait3A_60, %dma_wait3A_61] : memref<1000000x32xf32, #tpu.memory_space<hbm>> -> memref<1000000x32xf32, #tpu.memory_space<hbm>>
      tpu.wait_indirect_dma semaphore(%arg14 : memref<!tpu.dma_semaphore, #tpu.memory_space<semaphore_mem>>) src(%dma_wait3A_62 : memref<1000000x32xf32, #tpu.memory_space<hbm>>) dst(%arg8 : memref<200x32xf32, #tpu.memory_space<vmem>>)
      %ge3A = arith.constant 2 : i32
      %ge3A_63 = arith.cmpi sge, %add3A_56, %ge3A : i32
      %convert_element_type3A = arith.extui %ge3A_63 : i1 to i32
      %cond3A = arith.constant 0 : i32
      %cond3A_64 = arith.cmpi ne, %convert_element_type3A, %cond3A : i32
      scf.if %cond3A_64 {
        %sub3A = arith.constant 2 : i32
        %sub3A_188 = arith.subi %add3A_56, %sub3A : i32
        %add3A_189 = arith.addi %mul3A_2, %sub3A_188 : i32
        %mul3A_190 = arith.constant 50 : i32
        %mul3A_191 = arith.muli %add3A_189, %mul3A_190 : i32
        %dma_wait3A_192 = arith.constant 0 : i32
        %dma_wait3A_193 = tpu.memref_slice %arg5[%mul3A_191, %dma_wait3A_192] : memref<204800x128xf32, #tpu.memory_space<hbm>> -> memref<50x128xf32, #tpu.memory_space<hbm>>
        %dma_wait3A_194 = arith.constant 0 : i32
        %dma_wait3A_195 = tpu.memref_slice %arg5[%mul3A_191, %dma_wait3A_194] : memref<204800x128xf32, #tpu.memory_space<hbm>> -> memref<50x128xf32, #tpu.memory_space<hbm>>
        tpu.wait_dma2 semaphore(%arg18 : memref<!tpu.dma_semaphore, #tpu.memory_space<semaphore_mem>>) src(%arg12 : memref<50x128xf32, #tpu.memory_space<vmem>>) dst(%dma_wait3A_195 : memref<50x128xf32, #tpu.memory_space<hbm>>)
      } else {
      }
      %scan3A_65 = arith.constant 0 : i32
      %scan3A_66 = arith.constant 0 : i32
      %scan3A_67 = arith.constant 50 : i32
      %scan3A_68 = arith.addi %scan3A_66, %scan3A_67 : i32
      %scan3A_69 = arith.constant 1 : i32
      %scan3A_70 = scf.for %scan3A_188 = %scan3A_66 to %scan3A_68 step %scan3A_69 iter_args(%scan3A_189 = %scan3A_65) -> (i32)  : i32 {
        %mul3A_190 = arith.constant 4 : i32
        %mul3A_191 = arith.muli %scan3A_188, %mul3A_190 : i32
        %add3A_192 = arith.constant 0 : i32
        %add3A_193 = arith.addi %mul3A_191, %add3A_192 : i32
        %get3A = arith.index_cast %add3A_193 : i32 to index
        %get3A_194 = arith.constant 0 : index
        %get3A_195 = tpu.vector_load %arg8[%get3A, %get3A_194] {strides = array<i32>} : memref<200x32xf32, #tpu.memory_space<vmem>>, vector<1x16xf32>,
        %get3A_196 = vector.shape_cast %get3A_195 : vector<1x16xf32> to vector<16xf32>
        %mul3A_197 = arith.constant 32 : i32
        %mul3A_198 = arith.muli %add3A_193, %mul3A_197 : i32
        %add3A_199 = arith.constant 0 : i32
        %add3A_200 = arith.addi %mul3A_198, %add3A_199 : i32
        %get3A_201 = arith.index_cast %add3A_200 : i32 to index
        %get3A_202 = tpu.vector_load %arg7[%get3A_201] {strides = array<i32>} : memref<6400xf32, #tpu.memory_space<vmem>>, vector<16xf32>,
        %get3A_203 = vector.shape_cast %get3A_202 : vector<16xf32> to vector<16xf32>
        %add3A_204 = arith.addf %get3A_196, %get3A_203 : vector<16xf32>
        %swap3A = arith.index_cast %scan3A_188 : i32 to index
        %swap3A_205 = arith.constant 0 : index
        %swap3A_206 = tpu.vector_load %arg12[%swap3A, %swap3A_205] {strides = array<i32>} : memref<50x128xf32, #tpu.memory_space<vmem>>, vector<1x16xf32>,
        %swap3A_207 = vector.shape_cast %swap3A_206 : vector<1x16xf32> to vector<16xf32>
        %swap3A_208 = vector.shape_cast %add3A_204 : vector<16xf32> to vector<1x16xf32>
        tpu.vector_store %arg12[%swap3A, %swap3A_205], %swap3A_208 {strides = array<i32>} : memref<50x128xf32, #tpu.memory_space<vmem>>, vector<1x16xf32>,
        %get3A_209 = arith.index_cast %add3A_193 : i32 to index
        %get3A_210 = arith.constant 16 : index
        %get3A_211 = tpu.vector_load %arg8[%get3A_209, %get3A_210] {strides = array<i32>} : memref<200x32xf32, #tpu.memory_space<vmem>>, vector<1x16xf32>,
        %get3A_212 = vector.shape_cast %get3A_211 : vector<1x16xf32> to vector<16xf32>
        %mul3A_213 = arith.constant 32 : i32
        %mul3A_214 = arith.muli %add3A_193, %mul3A_213 : i32
        %add3A_215 = arith.constant 16 : i32
        %add3A_216 = arith.addi %mul3A_214, %add3A_215 : i32
        %get3A_217 = arith.index_cast %add3A_216 : i32 to index
        %get3A_218 = tpu.vector_load %arg7[%get3A_217] {strides = array<i32>} : memref<6400xf32, #tpu.memory_space<vmem>>, vector<16xf32>,
        %get3A_219 = vector.shape_cast %get3A_218 : vector<16xf32> to vector<16xf32>
        %add3A_220 = arith.addf %get3A_212, %get3A_219 : vector<16xf32>
        %swap3A_221 = arith.index_cast %scan3A_188 : i32 to index
        %swap3A_222 = arith.constant 16 : index
        %swap3A_223 = tpu.vector_load %arg12[%swap3A_221, %swap3A_222] {strides = array<i32>} : memref<50x128xf32, #tpu.memory_space<vmem>>, vector<1x16xf32>,
        %swap3A_224 = vector.shape_cast %swap3A_223 : vector<1x16xf32> to vector<16xf32>
        %swap3A_225 = vector.shape_cast %add3A_220 : vector<16xf32> to vector<1x16xf32>
        tpu.vector_store %arg12[%swap3A_221, %swap3A_222], %swap3A_225 {strides = array<i32>} : memref<50x128xf32, #tpu.memory_space<vmem>>, vector<1x16xf32>,
        %mul3A_226 = arith.constant 4 : i32
        %mul3A_227 = arith.muli %scan3A_188, %mul3A_226 : i32
        %add3A_228 = arith.constant 1 : i32
        %add3A_229 = arith.addi %mul3A_227, %add3A_228 : i32
        %get3A_230 = arith.index_cast %add3A_229 : i32 to index
        %get3A_231 = arith.constant 0 : index
        %get3A_232 = tpu.vector_load %arg8[%get3A_230, %get3A_231] {strides = array<i32>} : memref<200x32xf32, #tpu.memory_space<vmem>>, vector<1x16xf32>,
        %get3A_233 = vector.shape_cast %get3A_232 : vector<1x16xf32> to vector<16xf32>
        %mul3A_234 = arith.constant 32 : i32
        %mul3A_235 = arith.muli %add3A_229, %mul3A_234 : i32
        %add3A_236 = arith.constant 0 : i32
        %add3A_237 = arith.addi %mul3A_235, %add3A_236 : i32
        %get3A_238 = arith.index_cast %add3A_237 : i32 to index
        %get3A_239 = tpu.vector_load %arg7[%get3A_238] {strides = array<i32>} : memref<6400xf32, #tpu.memory_space<vmem>>, vector<16xf32>,
        %get3A_240 = vector.shape_cast %get3A_239 : vector<16xf32> to vector<16xf32>
        %add3A_241 = arith.addf %get3A_233, %get3A_240 : vector<16xf32>
        %swap3A_242 = arith.index_cast %scan3A_188 : i32 to index
        %swap3A_243 = arith.constant 32 : index
        %swap3A_244 = tpu.vector_load %arg12[%swap3A_242, %swap3A_243] {strides = array<i32>} : memref<50x128xf32, #tpu.memory_space<vmem>>, vector<1x16xf32>,
        %swap3A_245 = vector.shape_cast %swap3A_244 : vector<1x16xf32> to vector<16xf32>
        %swap3A_246 = vector.shape_cast %add3A_241 : vector<16xf32> to vector<1x16xf32>
        tpu.vector_store %arg12[%swap3A_242, %swap3A_243], %swap3A_246 {strides = array<i32>} : memref<50x128xf32, #tpu.memory_space<vmem>>, vector<1x16xf32>,
        %get3A_247 = arith.index_cast %add3A_229 : i32 to index
        %get3A_248 = arith.constant 16 : index
        %get3A_249 = tpu.vector_load %arg8[%get3A_247, %get3A_248] {strides = array<i32>} : memref<200x32xf32, #tpu.memory_space<vmem>>, vector<1x16xf32>,
        %get3A_250 = vector.shape_cast %get3A_249 : vector<1x16xf32> to vector<16xf32>
        %mul3A_251 = arith.constant 32 : i32
        %mul3A_252 = arith.muli %add3A_229, %mul3A_251 : i32
        %add3A_253 = arith.constant 16 : i32
        %add3A_254 = arith.addi %mul3A_252, %add3A_253 : i32
        %get3A_255 = arith.index_cast %add3A_254 : i32 to index
        %get3A_256 = tpu.vector_load %arg7[%get3A_255] {strides = array<i32>} : memref<6400xf32, #tpu.memory_space<vmem>>, vector<16xf32>,
        %get3A_257 = vector.shape_cast %get3A_256 : vector<16xf32> to vector<16xf32>
        %add3A_258 = arith.addf %get3A_250, %get3A_257 : vector<16xf32>
        %swap3A_259 = arith.index_cast %scan3A_188 : i32 to index
        %swap3A_260 = arith.constant 48 : index
        %swap3A_261 = tpu.vector_load %arg12[%swap3A_259, %swap3A_260] {strides = array<i32>} : memref<50x128xf32, #tpu.memory_space<vmem>>, vector<1x16xf32>,
        %swap3A_262 = vector.shape_cast %swap3A_261 : vector<1x16xf32> to vector<16xf32>
        %swap3A_263 = vector.shape_cast %add3A_258 : vector<16xf32> to vector<1x16xf32>
        tpu.vector_store %arg12[%swap3A_259, %swap3A_260], %swap3A_263 {strides = array<i32>} : memref<50x128xf32, #tpu.memory_space<vmem>>, vector<1x16xf32>,
        %mul3A_264 = arith.constant 4 : i32
        %mul3A_265 = arith.muli %scan3A_188, %mul3A_264 : i32
        %add3A_266 = arith.constant 2 : i32
        %add3A_267 = arith.addi %mul3A_265, %add3A_266 : i32
        %get3A_268 = arith.index_cast %add3A_267 : i32 to index
        %get3A_269 = arith.constant 0 : index
        %get3A_270 = tpu.vector_load %arg8[%get3A_268, %get3A_269] {strides = array<i32>} : memref<200x32xf32, #tpu.memory_space<vmem>>, vector<1x16xf32>,
        %get3A_271 = vector.shape_cast %get3A_270 : vector<1x16xf32> to vector<16xf32>
        %mul3A_272 = arith.constant 32 : i32
        %mul3A_273 = arith.muli %add3A_267, %mul3A_272 : i32
        %add3A_274 = arith.constant 0 : i32
        %add3A_275 = arith.addi %mul3A_273, %add3A_274 : i32
        %get3A_276 = arith.index_cast %add3A_275 : i32 to index
        %get3A_277 = tpu.vector_load %arg7[%get3A_276] {strides = array<i32>} : memref<6400xf32, #tpu.memory_space<vmem>>, vector<16xf32>,
        %get3A_278 = vector.shape_cast %get3A_277 : vector<16xf32> to vector<16xf32>
        %add3A_279 = arith.addf %get3A_271, %get3A_278 : vector<16xf32>
        %swap3A_280 = arith.index_cast %scan3A_188 : i32 to index
        %swap3A_281 = arith.constant 64 : index
        %swap3A_282 = tpu.vector_load %arg12[%swap3A_280, %swap3A_281] {strides = array<i32>} : memref<50x128xf32, #tpu.memory_space<vmem>>, vector<1x16xf32>,
        %swap3A_283 = vector.shape_cast %swap3A_282 : vector<1x16xf32> to vector<16xf32>
        %swap3A_284 = vector.shape_cast %add3A_279 : vector<16xf32> to vector<1x16xf32>
        tpu.vector_store %arg12[%swap3A_280, %swap3A_281], %swap3A_284 {strides = array<i32>} : memref<50x128xf32, #tpu.memory_space<vmem>>, vector<1x16xf32>,
        %get3A_285 = arith.index_cast %add3A_267 : i32 to index
        %get3A_286 = arith.constant 16 : index
        %get3A_287 = tpu.vector_load %arg8[%get3A_285, %get3A_286] {strides = array<i32>} : memref<200x32xf32, #tpu.memory_space<vmem>>, vector<1x16xf32>,
        %get3A_288 = vector.shape_cast %get3A_287 : vector<1x16xf32> to vector<16xf32>
        %mul3A_289 = arith.constant 32 : i32
        %mul3A_290 = arith.muli %add3A_267, %mul3A_289 : i32
        %add3A_291 = arith.constant 16 : i32
        %add3A_292 = arith.addi %mul3A_290, %add3A_291 : i32
        %get3A_293 = arith.index_cast %add3A_292 : i32 to index
        %get3A_294 = tpu.vector_load %arg7[%get3A_293] {strides = array<i32>} : memref<6400xf32, #tpu.memory_space<vmem>>, vector<16xf32>,
        %get3A_295 = vector.shape_cast %get3A_294 : vector<16xf32> to vector<16xf32>
        %add3A_296 = arith.addf %get3A_288, %get3A_295 : vector<16xf32>
        %swap3A_297 = arith.index_cast %scan3A_188 : i32 to index
        %swap3A_298 = arith.constant 80 : index
        %swap3A_299 = tpu.vector_load %arg12[%swap3A_297, %swap3A_298] {strides = array<i32>} : memref<50x128xf32, #tpu.memory_space<vmem>>, vector<1x16xf32>,
        %swap3A_300 = vector.shape_cast %swap3A_299 : vector<1x16xf32> to vector<16xf32>
        %swap3A_301 = vector.shape_cast %add3A_296 : vector<16xf32> to vector<1x16xf32>
        tpu.vector_store %arg12[%swap3A_297, %swap3A_298], %swap3A_301 {strides = array<i32>} : memref<50x128xf32, #tpu.memory_space<vmem>>, vector<1x16xf32>,
        %mul3A_302 = arith.constant 4 : i32
        %mul3A_303 = arith.muli %scan3A_188, %mul3A_302 : i32
        %add3A_304 = arith.constant 3 : i32
        %add3A_305 = arith.addi %mul3A_303, %add3A_304 : i32
        %get3A_306 = arith.index_cast %add3A_305 : i32 to index
        %get3A_307 = arith.constant 0 : index
        %get3A_308 = tpu.vector_load %arg8[%get3A_306, %get3A_307] {strides = array<i32>} : memref<200x32xf32, #tpu.memory_space<vmem>>, vector<1x16xf32>,
        %get3A_309 = vector.shape_cast %get3A_308 : vector<1x16xf32> to vector<16xf32>
        %mul3A_310 = arith.constant 32 : i32
        %mul3A_311 = arith.muli %add3A_305, %mul3A_310 : i32
        %add3A_312 = arith.constant 0 : i32
        %add3A_313 = arith.addi %mul3A_311, %add3A_312 : i32
        %get3A_314 = arith.index_cast %add3A_313 : i32 to index
        %get3A_315 = tpu.vector_load %arg7[%get3A_314] {strides = array<i32>} : memref<6400xf32, #tpu.memory_space<vmem>>, vector<16xf32>,
        %get3A_316 = vector.shape_cast %get3A_315 : vector<16xf32> to vector<16xf32>
        %add3A_317 = arith.addf %get3A_309, %get3A_316 : vector<16xf32>
        %swap3A_318 = arith.index_cast %scan3A_188 : i32 to index
        %swap3A_319 = arith.constant 96 : index
        %swap3A_320 = tpu.vector_load %arg12[%swap3A_318, %swap3A_319] {strides = array<i32>} : memref<50x128xf32, #tpu.memory_space<vmem>>, vector<1x16xf32>,
        %swap3A_321 = vector.shape_cast %swap3A_320 : vector<1x16xf32> to vector<16xf32>
        %swap3A_322 = vector.shape_cast %add3A_317 : vector<16xf32> to vector<1x16xf32>
        tpu.vector_store %arg12[%swap3A_318, %swap3A_319], %swap3A_322 {strides = array<i32>} : memref<50x128xf32, #tpu.memory_space<vmem>>, vector<1x16xf32>,
        %get3A_323 = arith.index_cast %add3A_305 : i32 to index
        %get3A_324 = arith.constant 16 : index
        %get3A_325 = tpu.vector_load %arg8[%get3A_323, %get3A_324] {strides = array<i32>} : memref<200x32xf32, #tpu.memory_space<vmem>>, vector<1x16xf32>,
        %get3A_326 = vector.shape_cast %get3A_325 : vector<1x16xf32> to vector<16xf32>
        %mul3A_327 = arith.constant 32 : i32
        %mul3A_328 = arith.muli %add3A_305, %mul3A_327 : i32
        %add3A_329 = arith.constant 16 : i32
        %add3A_330 = arith.addi %mul3A_328, %add3A_329 : i32
        %get3A_331 = arith.index_cast %add3A_330 : i32 to index
        %get3A_332 = tpu.vector_load %arg7[%get3A_331] {strides = array<i32>} : memref<6400xf32, #tpu.memory_space<vmem>>, vector<16xf32>,
        %get3A_333 = vector.shape_cast %get3A_332 : vector<16xf32> to vector<16xf32>
        %add3A_334 = arith.addf %get3A_326, %get3A_333 : vector<16xf32>
        %swap3A_335 = arith.index_cast %scan3A_188 : i32 to index
        %swap3A_336 = arith.constant 112 : index
        %swap3A_337 = tpu.vector_load %arg12[%swap3A_335, %swap3A_336] {strides = array<i32>} : memref<50x128xf32, #tpu.memory_space<vmem>>, vector<1x16xf32>,
        %swap3A_338 = vector.shape_cast %swap3A_337 : vector<1x16xf32> to vector<16xf32>
        %swap3A_339 = vector.shape_cast %add3A_334 : vector<16xf32> to vector<1x16xf32>
        tpu.vector_store %arg12[%swap3A_335, %swap3A_336], %swap3A_339 {strides = array<i32>} : memref<50x128xf32, #tpu.memory_space<vmem>>, vector<1x16xf32>,
        %scan3A_340 = arith.constant 0 : i32
        scf.yield %scan3A_340 : i32
      }
      %scan3A_71 = arith.constant 50 : i32
      %add3A_72 = arith.addi %mul3A_2, %add3A_56 : i32
      %mul3A_73 = arith.constant 50 : i32
      %mul3A_74 = arith.muli %add3A_72, %mul3A_73 : i32
      %dma_start3A_75 = arith.constant 0 : i32
      %dma_start3A_76 = tpu.memref_slice %arg5[%mul3A_74, %dma_start3A_75] : memref<204800x128xf32, #tpu.memory_space<hbm>> -> memref<50x128xf32, #tpu.memory_space<hbm>>
      %dma_start3A_77 = arith.constant 0 : i32
      %dma_start3A_78 = tpu.memref_slice %arg5[%mul3A_74, %dma_start3A_77] : memref<204800x128xf32, #tpu.memory_space<hbm>> -> memref<50x128xf32, #tpu.memory_space<hbm>>
      tpu.enqueue_dma source(%arg12 : memref<50x128xf32, #tpu.memory_space<vmem>>) target(%dma_start3A_78 : memref<50x128xf32, #tpu.memory_space<hbm>>) target_semaphore(%arg18 : memref<!tpu.dma_semaphore, #tpu.memory_space<semaphore_mem>>)
      %add3A_79 = arith.constant 4 : i32
      %add3A_80 = arith.addi %add3A_56, %add3A_79 : i32
      %lt3A = arith.constant 128 : i32
      %lt3A_81 = arith.cmpi slt, %add3A_80, %lt3A : i32
      %convert_element_type3A_82 = arith.extui %lt3A_81 : i1 to i32
      %cond3A_83 = arith.constant 0 : i32
      %cond3A_84 = arith.cmpi ne, %convert_element_type3A_82, %cond3A_83 : i32
      scf.if %cond3A_84 {
        %add3A_188 = arith.constant 4 : i32
        %add3A_189 = arith.addi %add3A_56, %add3A_188 : i32
        %dma_start3A_190 = arith.constant 0 : i32
        %dma_start3A_191 = tpu.memref_slice %arg6[%add3A_189, %dma_start3A_190] : memref<128x200xi32, #tpu.memory_space<vmem>> -> memref<1x200xi32, #tpu.memory_space<vmem>>
        %dma_start3A_192 = tpu.memref_squeeze %dma_start3A_191 : memref<1x200xi32, #tpu.memory_space<vmem>> -> memref<200xi32, #tpu.memory_space<vmem>>
        %dma_start3A_193 = arith.constant 0 : i32
        %dma_start3A_194 = arith.constant 0 : i32
        %dma_start3A_195 = tpu.memref_slice %arg3[%dma_start3A_193, %dma_start3A_194] : memref<1000000x32xf32, #tpu.memory_space<hbm>> -> memref<1000000x32xf32, #tpu.memory_space<hbm>>
        tpu.enqueue_indirect_dma source(%dma_start3A_195 : memref<1000000x32xf32, #tpu.memory_space<hbm>>) target(%arg8 : memref<200x32xf32, #tpu.memory_space<vmem>>) offsets(%dma_start3A_192 : memref<200xi32, #tpu.memory_space<vmem>>) semaphore(%arg14 : memref<!tpu.dma_semaphore, #tpu.memory_space<semaphore_mem>>)
      } else {
      }
      %add3A_85 = arith.constant 1 : i32
      %add3A_86 = arith.addi %mul3A_54, %add3A_85 : i32
      %dma_wait3A_87 = arith.constant 0 : i32
      %dma_wait3A_88 = tpu.memref_slice %arg6[%add3A_86, %dma_wait3A_87] : memref<128x200xi32, #tpu.memory_space<vmem>> -> memref<1x200xi32, #tpu.memory_space<vmem>>
      %dma_wait3A_89 = tpu.memref_squeeze %dma_wait3A_88 : memref<1x200xi32, #tpu.memory_space<vmem>> -> memref<200xi32, #tpu.memory_space<vmem>>
      %dma_wait3A_90 = arith.constant 0 : i32
      %dma_wait3A_91 = arith.constant 0 : i32
      %dma_wait3A_92 = tpu.memref_slice %arg3[%dma_wait3A_90, %dma_wait3A_91] : memref<1000000x32xf32, #tpu.memory_space<hbm>> -> memref<1000000x32xf32, #tpu.memory_space<hbm>>
      tpu.wait_indirect_dma semaphore(%arg15 : memref<!tpu.dma_semaphore, #tpu.memory_space<semaphore_mem>>) src(%dma_wait3A_92 : memref<1000000x32xf32, #tpu.memory_space<hbm>>) dst(%arg9 : memref<200x32xf32, #tpu.memory_space<vmem>>)
      %ge3A_93 = arith.constant 2 : i32
      %ge3A_94 = arith.cmpi sge, %add3A_86, %ge3A_93 : i32
      %convert_element_type3A_95 = arith.extui %ge3A_94 : i1 to i32
      %cond3A_96 = arith.constant 0 : i32
      %cond3A_97 = arith.cmpi ne, %convert_element_type3A_95, %cond3A_96 : i32
      scf.if %cond3A_97 {
        %sub3A = arith.constant 2 : i32
        %sub3A_188 = arith.subi %add3A_86, %sub3A : i32
        %add3A_189 = arith.addi %mul3A_2, %sub3A_188 : i32
        %mul3A_190 = arith.constant 50 : i32
        %mul3A_191 = arith.muli %add3A_189, %mul3A_190 : i32
        %dma_wait3A_192 = arith.constant 0 : i32
        %dma_wait3A_193 = tpu.memref_slice %arg5[%mul3A_191, %dma_wait3A_192] : memref<204800x128xf32, #tpu.memory_space<hbm>> -> memref<50x128xf32, #tpu.memory_space<hbm>>
        %dma_wait3A_194 = arith.constant 0 : i32
        %dma_wait3A_195 = tpu.memref_slice %arg5[%mul3A_191, %dma_wait3A_194] : memref<204800x128xf32, #tpu.memory_space<hbm>> -> memref<50x128xf32, #tpu.memory_space<hbm>>
        tpu.wait_dma2 semaphore(%arg19 : memref<!tpu.dma_semaphore, #tpu.memory_space<semaphore_mem>>) src(%arg13 : memref<50x128xf32, #tpu.memory_space<vmem>>) dst(%dma_wait3A_195 : memref<50x128xf32, #tpu.memory_space<hbm>>)
      } else {
      }
      %scan3A_98 = arith.constant 0 : i32
      %scan3A_99 = arith.constant 0 : i32
      %scan3A_100 = arith.constant 50 : i32
      %scan3A_101 = arith.addi %scan3A_99, %scan3A_100 : i32
      %scan3A_102 = arith.constant 1 : i32
      %scan3A_103 = scf.for %scan3A_188 = %scan3A_99 to %scan3A_101 step %scan3A_102 iter_args(%scan3A_189 = %scan3A_98) -> (i32)  : i32 {
        %mul3A_190 = arith.constant 4 : i32
        %mul3A_191 = arith.muli %scan3A_188, %mul3A_190 : i32
        %add3A_192 = arith.constant 0 : i32
        %add3A_193 = arith.addi %mul3A_191, %add3A_192 : i32
        %get3A = arith.index_cast %add3A_193 : i32 to index
        %get3A_194 = arith.constant 0 : index
        %get3A_195 = tpu.vector_load %arg9[%get3A, %get3A_194] {strides = array<i32>} : memref<200x32xf32, #tpu.memory_space<vmem>>, vector<1x16xf32>,
        %get3A_196 = vector.shape_cast %get3A_195 : vector<1x16xf32> to vector<16xf32>
        %mul3A_197 = arith.constant 32 : i32
        %mul3A_198 = arith.muli %add3A_193, %mul3A_197 : i32
        %add3A_199 = arith.constant 0 : i32
        %add3A_200 = arith.addi %mul3A_198, %add3A_199 : i32
        %get3A_201 = arith.index_cast %add3A_200 : i32 to index
        %get3A_202 = tpu.vector_load %arg7[%get3A_201] {strides = array<i32>} : memref<6400xf32, #tpu.memory_space<vmem>>, vector<16xf32>,
        %get3A_203 = vector.shape_cast %get3A_202 : vector<16xf32> to vector<16xf32>
        %add3A_204 = arith.addf %get3A_196, %get3A_203 : vector<16xf32>
        %swap3A = arith.index_cast %scan3A_188 : i32 to index
        %swap3A_205 = arith.constant 0 : index
        %swap3A_206 = tpu.vector_load %arg13[%swap3A, %swap3A_205] {strides = array<i32>} : memref<50x128xf32, #tpu.memory_space<vmem>>, vector<1x16xf32>,
        %swap3A_207 = vector.shape_cast %swap3A_206 : vector<1x16xf32> to vector<16xf32>
        %swap3A_208 = vector.shape_cast %add3A_204 : vector<16xf32> to vector<1x16xf32>
        tpu.vector_store %arg13[%swap3A, %swap3A_205], %swap3A_208 {strides = array<i32>} : memref<50x128xf32, #tpu.memory_space<vmem>>, vector<1x16xf32>,
        %get3A_209 = arith.index_cast %add3A_193 : i32 to index
        %get3A_210 = arith.constant 16 : index
        %get3A_211 = tpu.vector_load %arg9[%get3A_209, %get3A_210] {strides = array<i32>} : memref<200x32xf32, #tpu.memory_space<vmem>>, vector<1x16xf32>,
        %get3A_212 = vector.shape_cast %get3A_211 : vector<1x16xf32> to vector<16xf32>
        %mul3A_213 = arith.constant 32 : i32
        %mul3A_214 = arith.muli %add3A_193, %mul3A_213 : i32
        %add3A_215 = arith.constant 16 : i32
        %add3A_216 = arith.addi %mul3A_214, %add3A_215 : i32
        %get3A_217 = arith.index_cast %add3A_216 : i32 to index
        %get3A_218 = tpu.vector_load %arg7[%get3A_217] {strides = array<i32>} : memref<6400xf32, #tpu.memory_space<vmem>>, vector<16xf32>,
        %get3A_219 = vector.shape_cast %get3A_218 : vector<16xf32> to vector<16xf32>
        %add3A_220 = arith.addf %get3A_212, %get3A_219 : vector<16xf32>
        %swap3A_221 = arith.index_cast %scan3A_188 : i32 to index
        %swap3A_222 = arith.constant 16 : index
        %swap3A_223 = tpu.vector_load %arg13[%swap3A_221, %swap3A_222] {strides = array<i32>} : memref<50x128xf32, #tpu.memory_space<vmem>>, vector<1x16xf32>,
        %swap3A_224 = vector.shape_cast %swap3A_223 : vector<1x16xf32> to vector<16xf32>
        %swap3A_225 = vector.shape_cast %add3A_220 : vector<16xf32> to vector<1x16xf32>
        tpu.vector_store %arg13[%swap3A_221, %swap3A_222], %swap3A_225 {strides = array<i32>} : memref<50x128xf32, #tpu.memory_space<vmem>>, vector<1x16xf32>,
        %mul3A_226 = arith.constant 4 : i32
        %mul3A_227 = arith.muli %scan3A_188, %mul3A_226 : i32
        %add3A_228 = arith.constant 1 : i32
        %add3A_229 = arith.addi %mul3A_227, %add3A_228 : i32
        %get3A_230 = arith.index_cast %add3A_229 : i32 to index
        %get3A_231 = arith.constant 0 : index
        %get3A_232 = tpu.vector_load %arg9[%get3A_230, %get3A_231] {strides = array<i32>} : memref<200x32xf32, #tpu.memory_space<vmem>>, vector<1x16xf32>,
        %get3A_233 = vector.shape_cast %get3A_232 : vector<1x16xf32> to vector<16xf32>
        %mul3A_234 = arith.constant 32 : i32
        %mul3A_235 = arith.muli %add3A_229, %mul3A_234 : i32
        %add3A_236 = arith.constant 0 : i32
        %add3A_237 = arith.addi %mul3A_235, %add3A_236 : i32
        %get3A_238 = arith.index_cast %add3A_237 : i32 to index
        %get3A_239 = tpu.vector_load %arg7[%get3A_238] {strides = array<i32>} : memref<6400xf32, #tpu.memory_space<vmem>>, vector<16xf32>,
        %get3A_240 = vector.shape_cast %get3A_239 : vector<16xf32> to vector<16xf32>
        %add3A_241 = arith.addf %get3A_233, %get3A_240 : vector<16xf32>
        %swap3A_242 = arith.index_cast %scan3A_188 : i32 to index
        %swap3A_243 = arith.constant 32 : index
        %swap3A_244 = tpu.vector_load %arg13[%swap3A_242, %swap3A_243] {strides = array<i32>} : memref<50x128xf32, #tpu.memory_space<vmem>>, vector<1x16xf32>,
        %swap3A_245 = vector.shape_cast %swap3A_244 : vector<1x16xf32> to vector<16xf32>
        %swap3A_246 = vector.shape_cast %add3A_241 : vector<16xf32> to vector<1x16xf32>
        tpu.vector_store %arg13[%swap3A_242, %swap3A_243], %swap3A_246 {strides = array<i32>} : memref<50x128xf32, #tpu.memory_space<vmem>>, vector<1x16xf32>,
        %get3A_247 = arith.index_cast %add3A_229 : i32 to index
        %get3A_248 = arith.constant 16 : index
        %get3A_249 = tpu.vector_load %arg9[%get3A_247, %get3A_248] {strides = array<i32>} : memref<200x32xf32, #tpu.memory_space<vmem>>, vector<1x16xf32>,
        %get3A_250 = vector.shape_cast %get3A_249 : vector<1x16xf32> to vector<16xf32>
        %mul3A_251 = arith.constant 32 : i32
        %mul3A_252 = arith.muli %add3A_229, %mul3A_251 : i32
        %add3A_253 = arith.constant 16 : i32
        %add3A_254 = arith.addi %mul3A_252, %add3A_253 : i32
        %get3A_255 = arith.index_cast %add3A_254 : i32 to index
        %get3A_256 = tpu.vector_load %arg7[%get3A_255] {strides = array<i32>} : memref<6400xf32, #tpu.memory_space<vmem>>, vector<16xf32>,
        %get3A_257 = vector.shape_cast %get3A_256 : vector<16xf32> to vector<16xf32>
        %add3A_258 = arith.addf %get3A_250, %get3A_257 : vector<16xf32>
        %swap3A_259 = arith.index_cast %scan3A_188 : i32 to index
        %swap3A_260 = arith.constant 48 : index
        %swap3A_261 = tpu.vector_load %arg13[%swap3A_259, %swap3A_260] {strides = array<i32>} : memref<50x128xf32, #tpu.memory_space<vmem>>, vector<1x16xf32>,
        %swap3A_262 = vector.shape_cast %swap3A_261 : vector<1x16xf32> to vector<16xf32>
        %swap3A_263 = vector.shape_cast %add3A_258 : vector<16xf32> to vector<1x16xf32>
        tpu.vector_store %arg13[%swap3A_259, %swap3A_260], %swap3A_263 {strides = array<i32>} : memref<50x128xf32, #tpu.memory_space<vmem>>, vector<1x16xf32>,
        %mul3A_264 = arith.constant 4 : i32
        %mul3A_265 = arith.muli %scan3A_188, %mul3A_264 : i32
        %add3A_266 = arith.constant 2 : i32
        %add3A_267 = arith.addi %mul3A_265, %add3A_266 : i32
        %get3A_268 = arith.index_cast %add3A_267 : i32 to index
        %get3A_269 = arith.constant 0 : index
        %get3A_270 = tpu.vector_load %arg9[%get3A_268, %get3A_269] {strides = array<i32>} : memref<200x32xf32, #tpu.memory_space<vmem>>, vector<1x16xf32>,
        %get3A_271 = vector.shape_cast %get3A_270 : vector<1x16xf32> to vector<16xf32>
        %mul3A_272 = arith.constant 32 : i32
        %mul3A_273 = arith.muli %add3A_267, %mul3A_272 : i32
        %add3A_274 = arith.constant 0 : i32
        %add3A_275 = arith.addi %mul3A_273, %add3A_274 : i32
        %get3A_276 = arith.index_cast %add3A_275 : i32 to index
        %get3A_277 = tpu.vector_load %arg7[%get3A_276] {strides = array<i32>} : memref<6400xf32, #tpu.memory_space<vmem>>, vector<16xf32>,
        %get3A_278 = vector.shape_cast %get3A_277 : vector<16xf32> to vector<16xf32>
        %add3A_279 = arith.addf %get3A_271, %get3A_278 : vector<16xf32>
        %swap3A_280 = arith.index_cast %scan3A_188 : i32 to index
        %swap3A_281 = arith.constant 64 : index
        %swap3A_282 = tpu.vector_load %arg13[%swap3A_280, %swap3A_281] {strides = array<i32>} : memref<50x128xf32, #tpu.memory_space<vmem>>, vector<1x16xf32>,
        %swap3A_283 = vector.shape_cast %swap3A_282 : vector<1x16xf32> to vector<16xf32>
        %swap3A_284 = vector.shape_cast %add3A_279 : vector<16xf32> to vector<1x16xf32>
        tpu.vector_store %arg13[%swap3A_280, %swap3A_281], %swap3A_284 {strides = array<i32>} : memref<50x128xf32, #tpu.memory_space<vmem>>, vector<1x16xf32>,
        %get3A_285 = arith.index_cast %add3A_267 : i32 to index
        %get3A_286 = arith.constant 16 : index
        %get3A_287 = tpu.vector_load %arg9[%get3A_285, %get3A_286] {strides = array<i32>} : memref<200x32xf32, #tpu.memory_space<vmem>>, vector<1x16xf32>,
        %get3A_288 = vector.shape_cast %get3A_287 : vector<1x16xf32> to vector<16xf32>
        %mul3A_289 = arith.constant 32 : i32
        %mul3A_290 = arith.muli %add3A_267, %mul3A_289 : i32
        %add3A_291 = arith.constant 16 : i32
        %add3A_292 = arith.addi %mul3A_290, %add3A_291 : i32
        %get3A_293 = arith.index_cast %add3A_292 : i32 to index
        %get3A_294 = tpu.vector_load %arg7[%get3A_293] {strides = array<i32>} : memref<6400xf32, #tpu.memory_space<vmem>>, vector<16xf32>,
        %get3A_295 = vector.shape_cast %get3A_294 : vector<16xf32> to vector<16xf32>
        %add3A_296 = arith.addf %get3A_288, %get3A_295 : vector<16xf32>
        %swap3A_297 = arith.index_cast %scan3A_188 : i32 to index
        %swap3A_298 = arith.constant 80 : index
        %swap3A_299 = tpu.vector_load %arg13[%swap3A_297, %swap3A_298] {strides = array<i32>} : memref<50x128xf32, #tpu.memory_space<vmem>>, vector<1x16xf32>,
        %swap3A_300 = vector.shape_cast %swap3A_299 : vector<1x16xf32> to vector<16xf32>
        %swap3A_301 = vector.shape_cast %add3A_296 : vector<16xf32> to vector<1x16xf32>
        tpu.vector_store %arg13[%swap3A_297, %swap3A_298], %swap3A_301 {strides = array<i32>} : memref<50x128xf32, #tpu.memory_space<vmem>>, vector<1x16xf32>,
        %mul3A_302 = arith.constant 4 : i32
        %mul3A_303 = arith.muli %scan3A_188, %mul3A_302 : i32
        %add3A_304 = arith.constant 3 : i32
        %add3A_305 = arith.addi %mul3A_303, %add3A_304 : i32
        %get3A_306 = arith.index_cast %add3A_305 : i32 to index
        %get3A_307 = arith.constant 0 : index
        %get3A_308 = tpu.vector_load %arg9[%get3A_306, %get3A_307] {strides = array<i32>} : memref<200x32xf32, #tpu.memory_space<vmem>>, vector<1x16xf32>,
        %get3A_309 = vector.shape_cast %get3A_308 : vector<1x16xf32> to vector<16xf32>
        %mul3A_310 = arith.constant 32 : i32
        %mul3A_311 = arith.muli %add3A_305, %mul3A_310 : i32
        %add3A_312 = arith.constant 0 : i32
        %add3A_313 = arith.addi %mul3A_311, %add3A_312 : i32
        %get3A_314 = arith.index_cast %add3A_313 : i32 to index
        %get3A_315 = tpu.vector_load %arg7[%get3A_314] {strides = array<i32>} : memref<6400xf32, #tpu.memory_space<vmem>>, vector<16xf32>,
        %get3A_316 = vector.shape_cast %get3A_315 : vector<16xf32> to vector<16xf32>
        %add3A_317 = arith.addf %get3A_309, %get3A_316 : vector<16xf32>
        %swap3A_318 = arith.index_cast %scan3A_188 : i32 to index
        %swap3A_319 = arith.constant 96 : index
        %swap3A_320 = tpu.vector_load %arg13[%swap3A_318, %swap3A_319] {strides = array<i32>} : memref<50x128xf32, #tpu.memory_space<vmem>>, vector<1x16xf32>,
        %swap3A_321 = vector.shape_cast %swap3A_320 : vector<1x16xf32> to vector<16xf32>
        %swap3A_322 = vector.shape_cast %add3A_317 : vector<16xf32> to vector<1x16xf32>
        tpu.vector_store %arg13[%swap3A_318, %swap3A_319], %swap3A_322 {strides = array<i32>} : memref<50x128xf32, #tpu.memory_space<vmem>>, vector<1x16xf32>,
        %get3A_323 = arith.index_cast %add3A_305 : i32 to index
        %get3A_324 = arith.constant 16 : index
        %get3A_325 = tpu.vector_load %arg9[%get3A_323, %get3A_324] {strides = array<i32>} : memref<200x32xf32, #tpu.memory_space<vmem>>, vector<1x16xf32>,
        %get3A_326 = vector.shape_cast %get3A_325 : vector<1x16xf32> to vector<16xf32>
        %mul3A_327 = arith.constant 32 : i32
        %mul3A_328 = arith.muli %add3A_305, %mul3A_327 : i32
        %add3A_329 = arith.constant 16 : i32
        %add3A_330 = arith.addi %mul3A_328, %add3A_329 : i32
        %get3A_331 = arith.index_cast %add3A_330 : i32 to index
        %get3A_332 = tpu.vector_load %arg7[%get3A_331] {strides = array<i32>} : memref<6400xf32, #tpu.memory_space<vmem>>, vector<16xf32>,
        %get3A_333 = vector.shape_cast %get3A_332 : vector<16xf32> to vector<16xf32>
        %add3A_334 = arith.addf %get3A_326, %get3A_333 : vector<16xf32>
        %swap3A_335 = arith.index_cast %scan3A_188 : i32 to index
        %swap3A_336 = arith.constant 112 : index
        %swap3A_337 = tpu.vector_load %arg13[%swap3A_335, %swap3A_336] {strides = array<i32>} : memref<50x128xf32, #tpu.memory_space<vmem>>, vector<1x16xf32>,
        %swap3A_338 = vector.shape_cast %swap3A_337 : vector<1x16xf32> to vector<16xf32>
        %swap3A_339 = vector.shape_cast %add3A_334 : vector<16xf32> to vector<1x16xf32>
        tpu.vector_store %arg13[%swap3A_335, %swap3A_336], %swap3A_339 {strides = array<i32>} : memref<50x128xf32, #tpu.memory_space<vmem>>, vector<1x16xf32>,
        %scan3A_340 = arith.constant 0 : i32
        scf.yield %scan3A_340 : i32
      }
      %scan3A_104 = arith.constant 50 : i32
      %add3A_105 = arith.addi %mul3A_2, %add3A_86 : i32
      %mul3A_106 = arith.constant 50 : i32
      %mul3A_107 = arith.muli %add3A_105, %mul3A_106 : i32
      %dma_start3A_108 = arith.constant 0 : i32
      %dma_start3A_109 = tpu.memref_slice %arg5[%mul3A_107, %dma_start3A_108] : memref<204800x128xf32, #tpu.memory_space<hbm>> -> memref<50x128xf32, #tpu.memory_space<hbm>>
      %dma_start3A_110 = arith.constant 0 : i32
      %dma_start3A_111 = tpu.memref_slice %arg5[%mul3A_107, %dma_start3A_110] : memref<204800x128xf32, #tpu.memory_space<hbm>> -> memref<50x128xf32, #tpu.memory_space<hbm>>
      tpu.enqueue_dma source(%arg13 : memref<50x128xf32, #tpu.memory_space<vmem>>) target(%dma_start3A_111 : memref<50x128xf32, #tpu.memory_space<hbm>>) target_semaphore(%arg19 : memref<!tpu.dma_semaphore, #tpu.memory_space<semaphore_mem>>)
      %add3A_112 = arith.constant 4 : i32
      %add3A_113 = arith.addi %add3A_86, %add3A_112 : i32
      %lt3A_114 = arith.constant 128 : i32
      %lt3A_115 = arith.cmpi slt, %add3A_113, %lt3A_114 : i32
      %convert_element_type3A_116 = arith.extui %lt3A_115 : i1 to i32
      %cond3A_117 = arith.constant 0 : i32
      %cond3A_118 = arith.cmpi ne, %convert_element_type3A_116, %cond3A_117 : i32
      scf.if %cond3A_118 {
        %add3A_188 = arith.constant 4 : i32
        %add3A_189 = arith.addi %add3A_86, %add3A_188 : i32
        %dma_start3A_190 = arith.constant 0 : i32
        %dma_start3A_191 = tpu.memref_slice %arg6[%add3A_189, %dma_start3A_190] : memref<128x200xi32, #tpu.memory_space<vmem>> -> memref<1x200xi32, #tpu.memory_space<vmem>>
        %dma_start3A_192 = tpu.memref_squeeze %dma_start3A_191 : memref<1x200xi32, #tpu.memory_space<vmem>> -> memref<200xi32, #tpu.memory_space<vmem>>
        %dma_start3A_193 = arith.constant 0 : i32
        %dma_start3A_194 = arith.constant 0 : i32
        %dma_start3A_195 = tpu.memref_slice %arg3[%dma_start3A_193, %dma_start3A_194] : memref<1000000x32xf32, #tpu.memory_space<hbm>> -> memref<1000000x32xf32, #tpu.memory_space<hbm>>
        tpu.enqueue_indirect_dma source(%dma_start3A_195 : memref<1000000x32xf32, #tpu.memory_space<hbm>>) target(%arg9 : memref<200x32xf32, #tpu.memory_space<vmem>>) offsets(%dma_start3A_192 : memref<200xi32, #tpu.memory_space<vmem>>) semaphore(%arg15 : memref<!tpu.dma_semaphore, #tpu.memory_space<semaphore_mem>>)
      } else {
      }
      %add3A_119 = arith.constant 2 : i32
      %add3A_120 = arith.addi %mul3A_54, %add3A_119 : i32
      %dma_wait3A_121 = arith.constant 0 : i32
      %dma_wait3A_122 = tpu.memref_slice %arg6[%add3A_120, %dma_wait3A_121] : memref<128x200xi32, #tpu.memory_space<vmem>> -> memref<1x200xi32, #tpu.memory_space<vmem>>
      %dma_wait3A_123 = tpu.memref_squeeze %dma_wait3A_122 : memref<1x200xi32, #tpu.memory_space<vmem>> -> memref<200xi32, #tpu.memory_space<vmem>>
      %dma_wait3A_124 = arith.constant 0 : i32
      %dma_wait3A_125 = arith.constant 0 : i32
      %dma_wait3A_126 = tpu.memref_slice %arg3[%dma_wait3A_124, %dma_wait3A_125] : memref<1000000x32xf32, #tpu.memory_space<hbm>> -> memref<1000000x32xf32, #tpu.memory_space<hbm>>
      tpu.wait_indirect_dma semaphore(%arg16 : memref<!tpu.dma_semaphore, #tpu.memory_space<semaphore_mem>>) src(%dma_wait3A_126 : memref<1000000x32xf32, #tpu.memory_space<hbm>>) dst(%arg10 : memref<200x32xf32, #tpu.memory_space<vmem>>)
      %ge3A_127 = arith.constant 2 : i32
      %ge3A_128 = arith.cmpi sge, %add3A_120, %ge3A_127 : i32
      %convert_element_type3A_129 = arith.extui %ge3A_128 : i1 to i32
      %cond3A_130 = arith.constant 0 : i32
      %cond3A_131 = arith.cmpi ne, %convert_element_type3A_129, %cond3A_130 : i32
      scf.if %cond3A_131 {
        %sub3A = arith.constant 2 : i32
        %sub3A_188 = arith.subi %add3A_120, %sub3A : i32
        %add3A_189 = arith.addi %mul3A_2, %sub3A_188 : i32
        %mul3A_190 = arith.constant 50 : i32
        %mul3A_191 = arith.muli %add3A_189, %mul3A_190 : i32
        %dma_wait3A_192 = arith.constant 0 : i32
        %dma_wait3A_193 = tpu.memref_slice %arg5[%mul3A_191, %dma_wait3A_192] : memref<204800x128xf32, #tpu.memory_space<hbm>> -> memref<50x128xf32, #tpu.memory_space<hbm>>
        %dma_wait3A_194 = arith.constant 0 : i32
        %dma_wait3A_195 = tpu.memref_slice %arg5[%mul3A_191, %dma_wait3A_194] : memref<204800x128xf32, #tpu.memory_space<hbm>> -> memref<50x128xf32, #tpu.memory_space<hbm>>
        tpu.wait_dma2 semaphore(%arg18 : memref<!tpu.dma_semaphore, #tpu.memory_space<semaphore_mem>>) src(%arg12 : memref<50x128xf32, #tpu.memory_space<vmem>>) dst(%dma_wait3A_195 : memref<50x128xf32, #tpu.memory_space<hbm>>)
      } else {
      }
      %scan3A_132 = arith.constant 0 : i32
      %scan3A_133 = arith.constant 0 : i32
      %scan3A_134 = arith.constant 50 : i32
      %scan3A_135 = arith.addi %scan3A_133, %scan3A_134 : i32
      %scan3A_136 = arith.constant 1 : i32
      %scan3A_137 = scf.for %scan3A_188 = %scan3A_133 to %scan3A_135 step %scan3A_136 iter_args(%scan3A_189 = %scan3A_132) -> (i32)  : i32 {
        %mul3A_190 = arith.constant 4 : i32
        %mul3A_191 = arith.muli %scan3A_188, %mul3A_190 : i32
        %add3A_192 = arith.constant 0 : i32
        %add3A_193 = arith.addi %mul3A_191, %add3A_192 : i32
        %get3A = arith.index_cast %add3A_193 : i32 to index
        %get3A_194 = arith.constant 0 : index
        %get3A_195 = tpu.vector_load %arg10[%get3A, %get3A_194] {strides = array<i32>} : memref<200x32xf32, #tpu.memory_space<vmem>>, vector<1x16xf32>,
        %get3A_196 = vector.shape_cast %get3A_195 : vector<1x16xf32> to vector<16xf32>
        %mul3A_197 = arith.constant 32 : i32
        %mul3A_198 = arith.muli %add3A_193, %mul3A_197 : i32
        %add3A_199 = arith.constant 0 : i32
        %add3A_200 = arith.addi %mul3A_198, %add3A_199 : i32
        %get3A_201 = arith.index_cast %add3A_200 : i32 to index
        %get3A_202 = tpu.vector_load %arg7[%get3A_201] {strides = array<i32>} : memref<6400xf32, #tpu.memory_space<vmem>>, vector<16xf32>,
        %get3A_203 = vector.shape_cast %get3A_202 : vector<16xf32> to vector<16xf32>
        %add3A_204 = arith.addf %get3A_196, %get3A_203 : vector<16xf32>
        %swap3A = arith.index_cast %scan3A_188 : i32 to index
        %swap3A_205 = arith.constant 0 : index
        %swap3A_206 = tpu.vector_load %arg12[%swap3A, %swap3A_205] {strides = array<i32>} : memref<50x128xf32, #tpu.memory_space<vmem>>, vector<1x16xf32>,
        %swap3A_207 = vector.shape_cast %swap3A_206 : vector<1x16xf32> to vector<16xf32>
        %swap3A_208 = vector.shape_cast %add3A_204 : vector<16xf32> to vector<1x16xf32>
        tpu.vector_store %arg12[%swap3A, %swap3A_205], %swap3A_208 {strides = array<i32>} : memref<50x128xf32, #tpu.memory_space<vmem>>, vector<1x16xf32>,
        %get3A_209 = arith.index_cast %add3A_193 : i32 to index
        %get3A_210 = arith.constant 16 : index
        %get3A_211 = tpu.vector_load %arg10[%get3A_209, %get3A_210] {strides = array<i32>} : memref<200x32xf32, #tpu.memory_space<vmem>>, vector<1x16xf32>,
        %get3A_212 = vector.shape_cast %get3A_211 : vector<1x16xf32> to vector<16xf32>
        %mul3A_213 = arith.constant 32 : i32
        %mul3A_214 = arith.muli %add3A_193, %mul3A_213 : i32
        %add3A_215 = arith.constant 16 : i32
        %add3A_216 = arith.addi %mul3A_214, %add3A_215 : i32
        %get3A_217 = arith.index_cast %add3A_216 : i32 to index
        %get3A_218 = tpu.vector_load %arg7[%get3A_217] {strides = array<i32>} : memref<6400xf32, #tpu.memory_space<vmem>>, vector<16xf32>,
        %get3A_219 = vector.shape_cast %get3A_218 : vector<16xf32> to vector<16xf32>
        %add3A_220 = arith.addf %get3A_212, %get3A_219 : vector<16xf32>
        %swap3A_221 = arith.index_cast %scan3A_188 : i32 to index
        %swap3A_222 = arith.constant 16 : index
        %swap3A_223 = tpu.vector_load %arg12[%swap3A_221, %swap3A_222] {strides = array<i32>} : memref<50x128xf32, #tpu.memory_space<vmem>>, vector<1x16xf32>,
        %swap3A_224 = vector.shape_cast %swap3A_223 : vector<1x16xf32> to vector<16xf32>
        %swap3A_225 = vector.shape_cast %add3A_220 : vector<16xf32> to vector<1x16xf32>
        tpu.vector_store %arg12[%swap3A_221, %swap3A_222], %swap3A_225 {strides = array<i32>} : memref<50x128xf32, #tpu.memory_space<vmem>>, vector<1x16xf32>,
        %mul3A_226 = arith.constant 4 : i32
        %mul3A_227 = arith.muli %scan3A_188, %mul3A_226 : i32
        %add3A_228 = arith.constant 1 : i32
        %add3A_229 = arith.addi %mul3A_227, %add3A_228 : i32
        %get3A_230 = arith.index_cast %add3A_229 : i32 to index
        %get3A_231 = arith.constant 0 : index
        %get3A_232 = tpu.vector_load %arg10[%get3A_230, %get3A_231] {strides = array<i32>} : memref<200x32xf32, #tpu.memory_space<vmem>>, vector<1x16xf32>,
        %get3A_233 = vector.shape_cast %get3A_232 : vector<1x16xf32> to vector<16xf32>
        %mul3A_234 = arith.constant 32 : i32
        %mul3A_235 = arith.muli %add3A_229, %mul3A_234 : i32
        %add3A_236 = arith.constant 0 : i32
        %add3A_237 = arith.addi %mul3A_235, %add3A_236 : i32
        %get3A_238 = arith.index_cast %add3A_237 : i32 to index
        %get3A_239 = tpu.vector_load %arg7[%get3A_238] {strides = array<i32>} : memref<6400xf32, #tpu.memory_space<vmem>>, vector<16xf32>,
        %get3A_240 = vector.shape_cast %get3A_239 : vector<16xf32> to vector<16xf32>
        %add3A_241 = arith.addf %get3A_233, %get3A_240 : vector<16xf32>
        %swap3A_242 = arith.index_cast %scan3A_188 : i32 to index
        %swap3A_243 = arith.constant 32 : index
        %swap3A_244 = tpu.vector_load %arg12[%swap3A_242, %swap3A_243] {strides = array<i32>} : memref<50x128xf32, #tpu.memory_space<vmem>>, vector<1x16xf32>,
        %swap3A_245 = vector.shape_cast %swap3A_244 : vector<1x16xf32> to vector<16xf32>
        %swap3A_246 = vector.shape_cast %add3A_241 : vector<16xf32> to vector<1x16xf32>
        tpu.vector_store %arg12[%swap3A_242, %swap3A_243], %swap3A_246 {strides = array<i32>} : memref<50x128xf32, #tpu.memory_space<vmem>>, vector<1x16xf32>,
        %get3A_247 = arith.index_cast %add3A_229 : i32 to index
        %get3A_248 = arith.constant 16 : index
        %get3A_249 = tpu.vector_load %arg10[%get3A_247, %get3A_248] {strides = array<i32>} : memref<200x32xf32, #tpu.memory_space<vmem>>, vector<1x16xf32>,
        %get3A_250 = vector.shape_cast %get3A_249 : vector<1x16xf32> to vector<16xf32>
        %mul3A_251 = arith.constant 32 : i32
        %mul3A_252 = arith.muli %add3A_229, %mul3A_251 : i32
        %add3A_253 = arith.constant 16 : i32
        %add3A_254 = arith.addi %mul3A_252, %add3A_253 : i32
        %get3A_255 = arith.index_cast %add3A_254 : i32 to index
        %get3A_256 = tpu.vector_load %arg7[%get3A_255] {strides = array<i32>} : memref<6400xf32, #tpu.memory_space<vmem>>, vector<16xf32>,
        %get3A_257 = vector.shape_cast %get3A_256 : vector<16xf32> to vector<16xf32>
        %add3A_258 = arith.addf %get3A_250, %get3A_257 : vector<16xf32>
        %swap3A_259 = arith.index_cast %scan3A_188 : i32 to index
        %swap3A_260 = arith.constant 48 : index
        %swap3A_261 = tpu.vector_load %arg12[%swap3A_259, %swap3A_260] {strides = array<i32>} : memref<50x128xf32, #tpu.memory_space<vmem>>, vector<1x16xf32>,
        %swap3A_262 = vector.shape_cast %swap3A_261 : vector<1x16xf32> to vector<16xf32>
        %swap3A_263 = vector.shape_cast %add3A_258 : vector<16xf32> to vector<1x16xf32>
        tpu.vector_store %arg12[%swap3A_259, %swap3A_260], %swap3A_263 {strides = array<i32>} : memref<50x128xf32, #tpu.memory_space<vmem>>, vector<1x16xf32>,
        %mul3A_264 = arith.constant 4 : i32
        %mul3A_265 = arith.muli %scan3A_188, %mul3A_264 : i32
        %add3A_266 = arith.constant 2 : i32
        %add3A_267 = arith.addi %mul3A_265, %add3A_266 : i32
        %get3A_268 = arith.index_cast %add3A_267 : i32 to index
        %get3A_269 = arith.constant 0 : index
        %get3A_270 = tpu.vector_load %arg10[%get3A_268, %get3A_269] {strides = array<i32>} : memref<200x32xf32, #tpu.memory_space<vmem>>, vector<1x16xf32>,
        %get3A_271 = vector.shape_cast %get3A_270 : vector<1x16xf32> to vector<16xf32>
        %mul3A_272 = arith.constant 32 : i32
        %mul3A_273 = arith.muli %add3A_267, %mul3A_272 : i32
        %add3A_274 = arith.constant 0 : i32
        %add3A_275 = arith.addi %mul3A_273, %add3A_274 : i32
        %get3A_276 = arith.index_cast %add3A_275 : i32 to index
        %get3A_277 = tpu.vector_load %arg7[%get3A_276] {strides = array<i32>} : memref<6400xf32, #tpu.memory_space<vmem>>, vector<16xf32>,
        %get3A_278 = vector.shape_cast %get3A_277 : vector<16xf32> to vector<16xf32>
        %add3A_279 = arith.addf %get3A_271, %get3A_278 : vector<16xf32>
        %swap3A_280 = arith.index_cast %scan3A_188 : i32 to index
        %swap3A_281 = arith.constant 64 : index
        %swap3A_282 = tpu.vector_load %arg12[%swap3A_280, %swap3A_281] {strides = array<i32>} : memref<50x128xf32, #tpu.memory_space<vmem>>, vector<1x16xf32>,
        %swap3A_283 = vector.shape_cast %swap3A_282 : vector<1x16xf32> to vector<16xf32>
        %swap3A_284 = vector.shape_cast %add3A_279 : vector<16xf32> to vector<1x16xf32>
        tpu.vector_store %arg12[%swap3A_280, %swap3A_281], %swap3A_284 {strides = array<i32>} : memref<50x128xf32, #tpu.memory_space<vmem>>, vector<1x16xf32>,
        %get3A_285 = arith.index_cast %add3A_267 : i32 to index
        %get3A_286 = arith.constant 16 : index
        %get3A_287 = tpu.vector_load %arg10[%get3A_285, %get3A_286] {strides = array<i32>} : memref<200x32xf32, #tpu.memory_space<vmem>>, vector<1x16xf32>,
        %get3A_288 = vector.shape_cast %get3A_287 : vector<1x16xf32> to vector<16xf32>
        %mul3A_289 = arith.constant 32 : i32
        %mul3A_290 = arith.muli %add3A_267, %mul3A_289 : i32
        %add3A_291 = arith.constant 16 : i32
        %add3A_292 = arith.addi %mul3A_290, %add3A_291 : i32
        %get3A_293 = arith.index_cast %add3A_292 : i32 to index
        %get3A_294 = tpu.vector_load %arg7[%get3A_293] {strides = array<i32>} : memref<6400xf32, #tpu.memory_space<vmem>>, vector<16xf32>,
        %get3A_295 = vector.shape_cast %get3A_294 : vector<16xf32> to vector<16xf32>
        %add3A_296 = arith.addf %get3A_288, %get3A_295 : vector<16xf32>
        %swap3A_297 = arith.index_cast %scan3A_188 : i32 to index
        %swap3A_298 = arith.constant 80 : index
        %swap3A_299 = tpu.vector_load %arg12[%swap3A_297, %swap3A_298] {strides = array<i32>} : memref<50x128xf32, #tpu.memory_space<vmem>>, vector<1x16xf32>,
        %swap3A_300 = vector.shape_cast %swap3A_299 : vector<1x16xf32> to vector<16xf32>
        %swap3A_301 = vector.shape_cast %add3A_296 : vector<16xf32> to vector<1x16xf32>
        tpu.vector_store %arg12[%swap3A_297, %swap3A_298], %swap3A_301 {strides = array<i32>} : memref<50x128xf32, #tpu.memory_space<vmem>>, vector<1x16xf32>,
        %mul3A_302 = arith.constant 4 : i32
        %mul3A_303 = arith.muli %scan3A_188, %mul3A_302 : i32
        %add3A_304 = arith.constant 3 : i32
        %add3A_305 = arith.addi %mul3A_303, %add3A_304 : i32
        %get3A_306 = arith.index_cast %add3A_305 : i32 to index
        %get3A_307 = arith.constant 0 : index
        %get3A_308 = tpu.vector_load %arg10[%get3A_306, %get3A_307] {strides = array<i32>} : memref<200x32xf32, #tpu.memory_space<vmem>>, vector<1x16xf32>,
        %get3A_309 = vector.shape_cast %get3A_308 : vector<1x16xf32> to vector<16xf32>
        %mul3A_310 = arith.constant 32 : i32
        %mul3A_311 = arith.muli %add3A_305, %mul3A_310 : i32
        %add3A_312 = arith.constant 0 : i32
        %add3A_313 = arith.addi %mul3A_311, %add3A_312 : i32
        %get3A_314 = arith.index_cast %add3A_313 : i32 to index
        %get3A_315 = tpu.vector_load %arg7[%get3A_314] {strides = array<i32>} : memref<6400xf32, #tpu.memory_space<vmem>>, vector<16xf32>,
        %get3A_316 = vector.shape_cast %get3A_315 : vector<16xf32> to vector<16xf32>
        %add3A_317 = arith.addf %get3A_309, %get3A_316 : vector<16xf32>
        %swap3A_318 = arith.index_cast %scan3A_188 : i32 to index
        %swap3A_319 = arith.constant 96 : index
        %swap3A_320 = tpu.vector_load %arg12[%swap3A_318, %swap3A_319] {strides = array<i32>} : memref<50x128xf32, #tpu.memory_space<vmem>>, vector<1x16xf32>,
        %swap3A_321 = vector.shape_cast %swap3A_320 : vector<1x16xf32> to vector<16xf32>
        %swap3A_322 = vector.shape_cast %add3A_317 : vector<16xf32> to vector<1x16xf32>
        tpu.vector_store %arg12[%swap3A_318, %swap3A_319], %swap3A_322 {strides = array<i32>} : memref<50x128xf32, #tpu.memory_space<vmem>>, vector<1x16xf32>,
        %get3A_323 = arith.index_cast %add3A_305 : i32 to index
        %get3A_324 = arith.constant 16 : index
        %get3A_325 = tpu.vector_load %arg10[%get3A_323, %get3A_324] {strides = array<i32>} : memref<200x32xf32, #tpu.memory_space<vmem>>, vector<1x16xf32>,
        %get3A_326 = vector.shape_cast %get3A_325 : vector<1x16xf32> to vector<16xf32>
        %mul3A_327 = arith.constant 32 : i32
        %mul3A_328 = arith.muli %add3A_305, %mul3A_327 : i32
        %add3A_329 = arith.constant 16 : i32
        %add3A_330 = arith.addi %mul3A_328, %add3A_329 : i32
        %get3A_331 = arith.index_cast %add3A_330 : i32 to index
        %get3A_332 = tpu.vector_load %arg7[%get3A_331] {strides = array<i32>} : memref<6400xf32, #tpu.memory_space<vmem>>, vector<16xf32>,
        %get3A_333 = vector.shape_cast %get3A_332 : vector<16xf32> to vector<16xf32>
        %add3A_334 = arith.addf %get3A_326, %get3A_333 : vector<16xf32>
        %swap3A_335 = arith.index_cast %scan3A_188 : i32 to index
        %swap3A_336 = arith.constant 112 : index
        %swap3A_337 = tpu.vector_load %arg12[%swap3A_335, %swap3A_336] {strides = array<i32>} : memref<50x128xf32, #tpu.memory_space<vmem>>, vector<1x16xf32>,
        %swap3A_338 = vector.shape_cast %swap3A_337 : vector<1x16xf32> to vector<16xf32>
        %swap3A_339 = vector.shape_cast %add3A_334 : vector<16xf32> to vector<1x16xf32>
        tpu.vector_store %arg12[%swap3A_335, %swap3A_336], %swap3A_339 {strides = array<i32>} : memref<50x128xf32, #tpu.memory_space<vmem>>, vector<1x16xf32>,
        %scan3A_340 = arith.constant 0 : i32
        scf.yield %scan3A_340 : i32
      }
      %scan3A_138 = arith.constant 50 : i32
      %add3A_139 = arith.addi %mul3A_2, %add3A_120 : i32
      %mul3A_140 = arith.constant 50 : i32
      %mul3A_141 = arith.muli %add3A_139, %mul3A_140 : i32
      %dma_start3A_142 = arith.constant 0 : i32
      %dma_start3A_143 = tpu.memref_slice %arg5[%mul3A_141, %dma_start3A_142] : memref<204800x128xf32, #tpu.memory_space<hbm>> -> memref<50x128xf32, #tpu.memory_space<hbm>>
      %dma_start3A_144 = arith.constant 0 : i32
      %dma_start3A_145 = tpu.memref_slice %arg5[%mul3A_141, %dma_start3A_144] : memref<204800x128xf32, #tpu.memory_space<hbm>> -> memref<50x128xf32, #tpu.memory_space<hbm>>
      tpu.enqueue_dma source(%arg12 : memref<50x128xf32, #tpu.memory_space<vmem>>) target(%dma_start3A_145 : memref<50x128xf32, #tpu.memory_space<hbm>>) target_semaphore(%arg18 : memref<!tpu.dma_semaphore, #tpu.memory_space<semaphore_mem>>)
      %add3A_146 = arith.constant 4 : i32
      %add3A_147 = arith.addi %add3A_120, %add3A_146 : i32
      %lt3A_148 = arith.constant 128 : i32
      %lt3A_149 = arith.cmpi slt, %add3A_147, %lt3A_148 : i32
      %convert_element_type3A_150 = arith.extui %lt3A_149 : i1 to i32
      %cond3A_151 = arith.constant 0 : i32
      %cond3A_152 = arith.cmpi ne, %convert_element_type3A_150, %cond3A_151 : i32
      scf.if %cond3A_152 {
        %add3A_188 = arith.constant 4 : i32
        %add3A_189 = arith.addi %add3A_120, %add3A_188 : i32
        %dma_start3A_190 = arith.constant 0 : i32
        %dma_start3A_191 = tpu.memref_slice %arg6[%add3A_189, %dma_start3A_190] : memref<128x200xi32, #tpu.memory_space<vmem>> -> memref<1x200xi32, #tpu.memory_space<vmem>>
        %dma_start3A_192 = tpu.memref_squeeze %dma_start3A_191 : memref<1x200xi32, #tpu.memory_space<vmem>> -> memref<200xi32, #tpu.memory_space<vmem>>
        %dma_start3A_193 = arith.constant 0 : i32
        %dma_start3A_194 = arith.constant 0 : i32
        %dma_start3A_195 = tpu.memref_slice %arg3[%dma_start3A_193, %dma_start3A_194] : memref<1000000x32xf32, #tpu.memory_space<hbm>> -> memref<1000000x32xf32, #tpu.memory_space<hbm>>
        tpu.enqueue_indirect_dma source(%dma_start3A_195 : memref<1000000x32xf32, #tpu.memory_space<hbm>>) target(%arg10 : memref<200x32xf32, #tpu.memory_space<vmem>>) offsets(%dma_start3A_192 : memref<200xi32, #tpu.memory_space<vmem>>) semaphore(%arg16 : memref<!tpu.dma_semaphore, #tpu.memory_space<semaphore_mem>>)
      } else {
      }
      %add3A_153 = arith.constant 3 : i32
      %add3A_154 = arith.addi %mul3A_54, %add3A_153 : i32
      %dma_wait3A_155 = arith.constant 0 : i32
      %dma_wait3A_156 = tpu.memref_slice %arg6[%add3A_154, %dma_wait3A_155] : memref<128x200xi32, #tpu.memory_space<vmem>> -> memref<1x200xi32, #tpu.memory_space<vmem>>
      %dma_wait3A_157 = tpu.memref_squeeze %dma_wait3A_156 : memref<1x200xi32, #tpu.memory_space<vmem>> -> memref<200xi32, #tpu.memory_space<vmem>>
      %dma_wait3A_158 = arith.constant 0 : i32
      %dma_wait3A_159 = arith.constant 0 : i32
      %dma_wait3A_160 = tpu.memref_slice %arg3[%dma_wait3A_158, %dma_wait3A_159] : memref<1000000x32xf32, #tpu.memory_space<hbm>> -> memref<1000000x32xf32, #tpu.memory_space<hbm>>
      tpu.wait_indirect_dma semaphore(%arg17 : memref<!tpu.dma_semaphore, #tpu.memory_space<semaphore_mem>>) src(%dma_wait3A_160 : memref<1000000x32xf32, #tpu.memory_space<hbm>>) dst(%arg11 : memref<200x32xf32, #tpu.memory_space<vmem>>)
      %ge3A_161 = arith.constant 2 : i32
      %ge3A_162 = arith.cmpi sge, %add3A_154, %ge3A_161 : i32
      %convert_element_type3A_163 = arith.extui %ge3A_162 : i1 to i32
      %cond3A_164 = arith.constant 0 : i32
      %cond3A_165 = arith.cmpi ne, %convert_element_type3A_163, %cond3A_164 : i32
      scf.if %cond3A_165 {
        %sub3A = arith.constant 2 : i32
        %sub3A_188 = arith.subi %add3A_154, %sub3A : i32
        %add3A_189 = arith.addi %mul3A_2, %sub3A_188 : i32
        %mul3A_190 = arith.constant 50 : i32
        %mul3A_191 = arith.muli %add3A_189, %mul3A_190 : i32
        %dma_wait3A_192 = arith.constant 0 : i32
        %dma_wait3A_193 = tpu.memref_slice %arg5[%mul3A_191, %dma_wait3A_192] : memref<204800x128xf32, #tpu.memory_space<hbm>> -> memref<50x128xf32, #tpu.memory_space<hbm>>
        %dma_wait3A_194 = arith.constant 0 : i32
        %dma_wait3A_195 = tpu.memref_slice %arg5[%mul3A_191, %dma_wait3A_194] : memref<204800x128xf32, #tpu.memory_space<hbm>> -> memref<50x128xf32, #tpu.memory_space<hbm>>
        tpu.wait_dma2 semaphore(%arg19 : memref<!tpu.dma_semaphore, #tpu.memory_space<semaphore_mem>>) src(%arg13 : memref<50x128xf32, #tpu.memory_space<vmem>>) dst(%dma_wait3A_195 : memref<50x128xf32, #tpu.memory_space<hbm>>)
      } else {
      }
      %scan3A_166 = arith.constant 0 : i32
      %scan3A_167 = arith.constant 0 : i32
      %scan3A_168 = arith.constant 50 : i32
      %scan3A_169 = arith.addi %scan3A_167, %scan3A_168 : i32
      %scan3A_170 = arith.constant 1 : i32
      %scan3A_171 = scf.for %scan3A_188 = %scan3A_167 to %scan3A_169 step %scan3A_170 iter_args(%scan3A_189 = %scan3A_166) -> (i32)  : i32 {
        %mul3A_190 = arith.constant 4 : i32
        %mul3A_191 = arith.muli %scan3A_188, %mul3A_190 : i32
        %add3A_192 = arith.constant 0 : i32
        %add3A_193 = arith.addi %mul3A_191, %add3A_192 : i32
        %get3A = arith.index_cast %add3A_193 : i32 to index
        %get3A_194 = arith.constant 0 : index
        %get3A_195 = tpu.vector_load %arg11[%get3A, %get3A_194] {strides = array<i32>} : memref<200x32xf32, #tpu.memory_space<vmem>>, vector<1x16xf32>,
        %get3A_196 = vector.shape_cast %get3A_195 : vector<1x16xf32> to vector<16xf32>
        %mul3A_197 = arith.constant 32 : i32
        %mul3A_198 = arith.muli %add3A_193, %mul3A_197 : i32
        %add3A_199 = arith.constant 0 : i32
        %add3A_200 = arith.addi %mul3A_198, %add3A_199 : i32
        %get3A_201 = arith.index_cast %add3A_200 : i32 to index
        %get3A_202 = tpu.vector_load %arg7[%get3A_201] {strides = array<i32>} : memref<6400xf32, #tpu.memory_space<vmem>>, vector<16xf32>,
        %get3A_203 = vector.shape_cast %get3A_202 : vector<16xf32> to vector<16xf32>
        %add3A_204 = arith.addf %get3A_196, %get3A_203 : vector<16xf32>
        %swap3A = arith.index_cast %scan3A_188 : i32 to index
        %swap3A_205 = arith.constant 0 : index
        %swap3A_206 = tpu.vector_load %arg13[%swap3A, %swap3A_205] {strides = array<i32>} : memref<50x128xf32, #tpu.memory_space<vmem>>, vector<1x16xf32>,
        %swap3A_207 = vector.shape_cast %swap3A_206 : vector<1x16xf32> to vector<16xf32>
        %swap3A_208 = vector.shape_cast %add3A_204 : vector<16xf32> to vector<1x16xf32>
        tpu.vector_store %arg13[%swap3A, %swap3A_205], %swap3A_208 {strides = array<i32>} : memref<50x128xf32, #tpu.memory_space<vmem>>, vector<1x16xf32>,
        %get3A_209 = arith.index_cast %add3A_193 : i32 to index
        %get3A_210 = arith.constant 16 : index
        %get3A_211 = tpu.vector_load %arg11[%get3A_209, %get3A_210] {strides = array<i32>} : memref<200x32xf32, #tpu.memory_space<vmem>>, vector<1x16xf32>,
        %get3A_212 = vector.shape_cast %get3A_211 : vector<1x16xf32> to vector<16xf32>
        %mul3A_213 = arith.constant 32 : i32
        %mul3A_214 = arith.muli %add3A_193, %mul3A_213 : i32
        %add3A_215 = arith.constant 16 : i32
        %add3A_216 = arith.addi %mul3A_214, %add3A_215 : i32
        %get3A_217 = arith.index_cast %add3A_216 : i32 to index
        %get3A_218 = tpu.vector_load %arg7[%get3A_217] {strides = array<i32>} : memref<6400xf32, #tpu.memory_space<vmem>>, vector<16xf32>,
        %get3A_219 = vector.shape_cast %get3A_218 : vector<16xf32> to vector<16xf32>
        %add3A_220 = arith.addf %get3A_212, %get3A_219 : vector<16xf32>
        %swap3A_221 = arith.index_cast %scan3A_188 : i32 to index
        %swap3A_222 = arith.constant 16 : index
        %swap3A_223 = tpu.vector_load %arg13[%swap3A_221, %swap3A_222] {strides = array<i32>} : memref<50x128xf32, #tpu.memory_space<vmem>>, vector<1x16xf32>,
        %swap3A_224 = vector.shape_cast %swap3A_223 : vector<1x16xf32> to vector<16xf32>
        %swap3A_225 = vector.shape_cast %add3A_220 : vector<16xf32> to vector<1x16xf32>
        tpu.vector_store %arg13[%swap3A_221, %swap3A_222], %swap3A_225 {strides = array<i32>} : memref<50x128xf32, #tpu.memory_space<vmem>>, vector<1x16xf32>,
        %mul3A_226 = arith.constant 4 : i32
        %mul3A_227 = arith.muli %scan3A_188, %mul3A_226 : i32
        %add3A_228 = arith.constant 1 : i32
        %add3A_229 = arith.addi %mul3A_227, %add3A_228 : i32
        %get3A_230 = arith.index_cast %add3A_229 : i32 to index
        %get3A_231 = arith.constant 0 : index
        %get3A_232 = tpu.vector_load %arg11[%get3A_230, %get3A_231] {strides = array<i32>} : memref<200x32xf32, #tpu.memory_space<vmem>>, vector<1x16xf32>,
        %get3A_233 = vector.shape_cast %get3A_232 : vector<1x16xf32> to vector<16xf32>
        %mul3A_234 = arith.constant 32 : i32
        %mul3A_235 = arith.muli %add3A_229, %mul3A_234 : i32
        %add3A_236 = arith.constant 0 : i32
        %add3A_237 = arith.addi %mul3A_235, %add3A_236 : i32
        %get3A_238 = arith.index_cast %add3A_237 : i32 to index
        %get3A_239 = tpu.vector_load %arg7[%get3A_238] {strides = array<i32>} : memref<6400xf32, #tpu.memory_space<vmem>>, vector<16xf32>,
        %get3A_240 = vector.shape_cast %get3A_239 : vector<16xf32> to vector<16xf32>
        %add3A_241 = arith.addf %get3A_233, %get3A_240 : vector<16xf32>
        %swap3A_242 = arith.index_cast %scan3A_188 : i32 to index
        %swap3A_243 = arith.constant 32 : index
        %swap3A_244 = tpu.vector_load %arg13[%swap3A_242, %swap3A_243] {strides = array<i32>} : memref<50x128xf32, #tpu.memory_space<vmem>>, vector<1x16xf32>,
        %swap3A_245 = vector.shape_cast %swap3A_244 : vector<1x16xf32> to vector<16xf32>
        %swap3A_246 = vector.shape_cast %add3A_241 : vector<16xf32> to vector<1x16xf32>
        tpu.vector_store %arg13[%swap3A_242, %swap3A_243], %swap3A_246 {strides = array<i32>} : memref<50x128xf32, #tpu.memory_space<vmem>>, vector<1x16xf32>,
        %get3A_247 = arith.index_cast %add3A_229 : i32 to index
        %get3A_248 = arith.constant 16 : index
        %get3A_249 = tpu.vector_load %arg11[%get3A_247, %get3A_248] {strides = array<i32>} : memref<200x32xf32, #tpu.memory_space<vmem>>, vector<1x16xf32>,
        %get3A_250 = vector.shape_cast %get3A_249 : vector<1x16xf32> to vector<16xf32>
        %mul3A_251 = arith.constant 32 : i32
        %mul3A_252 = arith.muli %add3A_229, %mul3A_251 : i32
        %add3A_253 = arith.constant 16 : i32
        %add3A_254 = arith.addi %mul3A_252, %add3A_253 : i32
        %get3A_255 = arith.index_cast %add3A_254 : i32 to index
        %get3A_256 = tpu.vector_load %arg7[%get3A_255] {strides = array<i32>} : memref<6400xf32, #tpu.memory_space<vmem>>, vector<16xf32>,
        %get3A_257 = vector.shape_cast %get3A_256 : vector<16xf32> to vector<16xf32>
        %add3A_258 = arith.addf %get3A_250, %get3A_257 : vector<16xf32>
        %swap3A_259 = arith.index_cast %scan3A_188 : i32 to index
        %swap3A_260 = arith.constant 48 : index
        %swap3A_261 = tpu.vector_load %arg13[%swap3A_259, %swap3A_260] {strides = array<i32>} : memref<50x128xf32, #tpu.memory_space<vmem>>, vector<1x16xf32>,
        %swap3A_262 = vector.shape_cast %swap3A_261 : vector<1x16xf32> to vector<16xf32>
        %swap3A_263 = vector.shape_cast %add3A_258 : vector<16xf32> to vector<1x16xf32>
        tpu.vector_store %arg13[%swap3A_259, %swap3A_260], %swap3A_263 {strides = array<i32>} : memref<50x128xf32, #tpu.memory_space<vmem>>, vector<1x16xf32>,
        %mul3A_264 = arith.constant 4 : i32
        %mul3A_265 = arith.muli %scan3A_188, %mul3A_264 : i32
        %add3A_266 = arith.constant 2 : i32
        %add3A_267 = arith.addi %mul3A_265, %add3A_266 : i32
        %get3A_268 = arith.index_cast %add3A_267 : i32 to index
        %get3A_269 = arith.constant 0 : index
        %get3A_270 = tpu.vector_load %arg11[%get3A_268, %get3A_269] {strides = array<i32>} : memref<200x32xf32, #tpu.memory_space<vmem>>, vector<1x16xf32>,
        %get3A_271 = vector.shape_cast %get3A_270 : vector<1x16xf32> to vector<16xf32>
        %mul3A_272 = arith.constant 32 : i32
        %mul3A_273 = arith.muli %add3A_267, %mul3A_272 : i32
        %add3A_274 = arith.constant 0 : i32
        %add3A_275 = arith.addi %mul3A_273, %add3A_274 : i32
        %get3A_276 = arith.index_cast %add3A_275 : i32 to index
        %get3A_277 = tpu.vector_load %arg7[%get3A_276] {strides = array<i32>} : memref<6400xf32, #tpu.memory_space<vmem>>, vector<16xf32>,
        %get3A_278 = vector.shape_cast %get3A_277 : vector<16xf32> to vector<16xf32>
        %add3A_279 = arith.addf %get3A_271, %get3A_278 : vector<16xf32>
        %swap3A_280 = arith.index_cast %scan3A_188 : i32 to index
        %swap3A_281 = arith.constant 64 : index
        %swap3A_282 = tpu.vector_load %arg13[%swap3A_280, %swap3A_281] {strides = array<i32>} : memref<50x128xf32, #tpu.memory_space<vmem>>, vector<1x16xf32>,
        %swap3A_283 = vector.shape_cast %swap3A_282 : vector<1x16xf32> to vector<16xf32>
        %swap3A_284 = vector.shape_cast %add3A_279 : vector<16xf32> to vector<1x16xf32>
        tpu.vector_store %arg13[%swap3A_280, %swap3A_281], %swap3A_284 {strides = array<i32>} : memref<50x128xf32, #tpu.memory_space<vmem>>, vector<1x16xf32>,
        %get3A_285 = arith.index_cast %add3A_267 : i32 to index
        %get3A_286 = arith.constant 16 : index
        %get3A_287 = tpu.vector_load %arg11[%get3A_285, %get3A_286] {strides = array<i32>} : memref<200x32xf32, #tpu.memory_space<vmem>>, vector<1x16xf32>,
        %get3A_288 = vector.shape_cast %get3A_287 : vector<1x16xf32> to vector<16xf32>
        %mul3A_289 = arith.constant 32 : i32
        %mul3A_290 = arith.muli %add3A_267, %mul3A_289 : i32
        %add3A_291 = arith.constant 16 : i32
        %add3A_292 = arith.addi %mul3A_290, %add3A_291 : i32
        %get3A_293 = arith.index_cast %add3A_292 : i32 to index
        %get3A_294 = tpu.vector_load %arg7[%get3A_293] {strides = array<i32>} : memref<6400xf32, #tpu.memory_space<vmem>>, vector<16xf32>,
        %get3A_295 = vector.shape_cast %get3A_294 : vector<16xf32> to vector<16xf32>
        %add3A_296 = arith.addf %get3A_288, %get3A_295 : vector<16xf32>
        %swap3A_297 = arith.index_cast %scan3A_188 : i32 to index
        %swap3A_298 = arith.constant 80 : index
        %swap3A_299 = tpu.vector_load %arg13[%swap3A_297, %swap3A_298] {strides = array<i32>} : memref<50x128xf32, #tpu.memory_space<vmem>>, vector<1x16xf32>,
        %swap3A_300 = vector.shape_cast %swap3A_299 : vector<1x16xf32> to vector<16xf32>
        %swap3A_301 = vector.shape_cast %add3A_296 : vector<16xf32> to vector<1x16xf32>
        tpu.vector_store %arg13[%swap3A_297, %swap3A_298], %swap3A_301 {strides = array<i32>} : memref<50x128xf32, #tpu.memory_space<vmem>>, vector<1x16xf32>,
        %mul3A_302 = arith.constant 4 : i32
        %mul3A_303 = arith.muli %scan3A_188, %mul3A_302 : i32
        %add3A_304 = arith.constant 3 : i32
        %add3A_305 = arith.addi %mul3A_303, %add3A_304 : i32
        %get3A_306 = arith.index_cast %add3A_305 : i32 to index
        %get3A_307 = arith.constant 0 : index
        %get3A_308 = tpu.vector_load %arg11[%get3A_306, %get3A_307] {strides = array<i32>} : memref<200x32xf32, #tpu.memory_space<vmem>>, vector<1x16xf32>,
        %get3A_309 = vector.shape_cast %get3A_308 : vector<1x16xf32> to vector<16xf32>
        %mul3A_310 = arith.constant 32 : i32
        %mul3A_311 = arith.muli %add3A_305, %mul3A_310 : i32
        %add3A_312 = arith.constant 0 : i32
        %add3A_313 = arith.addi %mul3A_311, %add3A_312 : i32
        %get3A_314 = arith.index_cast %add3A_313 : i32 to index
        %get3A_315 = tpu.vector_load %arg7[%get3A_314] {strides = array<i32>} : memref<6400xf32, #tpu.memory_space<vmem>>, vector<16xf32>,
        %get3A_316 = vector.shape_cast %get3A_315 : vector<16xf32> to vector<16xf32>
        %add3A_317 = arith.addf %get3A_309, %get3A_316 : vector<16xf32>
        %swap3A_318 = arith.index_cast %scan3A_188 : i32 to index
        %swap3A_319 = arith.constant 96 : index
        %swap3A_320 = tpu.vector_load %arg13[%swap3A_318, %swap3A_319] {strides = array<i32>} : memref<50x128xf32, #tpu.memory_space<vmem>>, vector<1x16xf32>,
        %swap3A_321 = vector.shape_cast %swap3A_320 : vector<1x16xf32> to vector<16xf32>
        %swap3A_322 = vector.shape_cast %add3A_317 : vector<16xf32> to vector<1x16xf32>
        tpu.vector_store %arg13[%swap3A_318, %swap3A_319], %swap3A_322 {strides = array<i32>} : memref<50x128xf32, #tpu.memory_space<vmem>>, vector<1x16xf32>,
        %get3A_323 = arith.index_cast %add3A_305 : i32 to index
        %get3A_324 = arith.constant 16 : index
        %get3A_325 = tpu.vector_load %arg11[%get3A_323, %get3A_324] {strides = array<i32>} : memref<200x32xf32, #tpu.memory_space<vmem>>, vector<1x16xf32>,
        %get3A_326 = vector.shape_cast %get3A_325 : vector<1x16xf32> to vector<16xf32>
        %mul3A_327 = arith.constant 32 : i32
        %mul3A_328 = arith.muli %add3A_305, %mul3A_327 : i32
        %add3A_329 = arith.constant 16 : i32
        %add3A_330 = arith.addi %mul3A_328, %add3A_329 : i32
        %get3A_331 = arith.index_cast %add3A_330 : i32 to index
        %get3A_332 = tpu.vector_load %arg7[%get3A_331] {strides = array<i32>} : memref<6400xf32, #tpu.memory_space<vmem>>, vector<16xf32>,
        %get3A_333 = vector.shape_cast %get3A_332 : vector<16xf32> to vector<16xf32>
        %add3A_334 = arith.addf %get3A_326, %get3A_333 : vector<16xf32>
        %swap3A_335 = arith.index_cast %scan3A_188 : i32 to index
        %swap3A_336 = arith.constant 112 : index
        %swap3A_337 = tpu.vector_load %arg13[%swap3A_335, %swap3A_336] {strides = array<i32>} : memref<50x128xf32, #tpu.memory_space<vmem>>, vector<1x16xf32>,
        %swap3A_338 = vector.shape_cast %swap3A_337 : vector<1x16xf32> to vector<16xf32>
        %swap3A_339 = vector.shape_cast %add3A_334 : vector<16xf32> to vector<1x16xf32>
        tpu.vector_store %arg13[%swap3A_335, %swap3A_336], %swap3A_339 {strides = array<i32>} : memref<50x128xf32, #tpu.memory_space<vmem>>, vector<1x16xf32>,
        %scan3A_340 = arith.constant 0 : i32
        scf.yield %scan3A_340 : i32
      }
      %scan3A_172 = arith.constant 50 : i32
      %add3A_173 = arith.addi %mul3A_2, %add3A_154 : i32
      %mul3A_174 = arith.constant 50 : i32
      %mul3A_175 = arith.muli %add3A_173, %mul3A_174 : i32
      %dma_start3A_176 = arith.constant 0 : i32
      %dma_start3A_177 = tpu.memref_slice %arg5[%mul3A_175, %dma_start3A_176] : memref<204800x128xf32, #tpu.memory_space<hbm>> -> memref<50x128xf32, #tpu.memory_space<hbm>>
      %dma_start3A_178 = arith.constant 0 : i32
      %dma_start3A_179 = tpu.memref_slice %arg5[%mul3A_175, %dma_start3A_178] : memref<204800x128xf32, #tpu.memory_space<hbm>> -> memref<50x128xf32, #tpu.memory_space<hbm>>
      tpu.enqueue_dma source(%arg13 : memref<50x128xf32, #tpu.memory_space<vmem>>) target(%dma_start3A_179 : memref<50x128xf32, #tpu.memory_space<hbm>>) target_semaphore(%arg19 : memref<!tpu.dma_semaphore, #tpu.memory_space<semaphore_mem>>)
      %add3A_180 = arith.constant 4 : i32
      %add3A_181 = arith.addi %add3A_154, %add3A_180 : i32
      %lt3A_182 = arith.constant 128 : i32
      %lt3A_183 = arith.cmpi slt, %add3A_181, %lt3A_182 : i32
      %convert_element_type3A_184 = arith.extui %lt3A_183 : i1 to i32
      %cond3A_185 = arith.constant 0 : i32
      %cond3A_186 = arith.cmpi ne, %convert_element_type3A_184, %cond3A_185 : i32
      scf.if %cond3A_186 {
        %add3A_188 = arith.constant 4 : i32
        %add3A_189 = arith.addi %add3A_154, %add3A_188 : i32
        %dma_start3A_190 = arith.constant 0 : i32
        %dma_start3A_191 = tpu.memref_slice %arg6[%add3A_189, %dma_start3A_190] : memref<128x200xi32, #tpu.memory_space<vmem>> -> memref<1x200xi32, #tpu.memory_space<vmem>>
        %dma_start3A_192 = tpu.memref_squeeze %dma_start3A_191 : memref<1x200xi32, #tpu.memory_space<vmem>> -> memref<200xi32, #tpu.memory_space<vmem>>
        %dma_start3A_193 = arith.constant 0 : i32
        %dma_start3A_194 = arith.constant 0 : i32
        %dma_start3A_195 = tpu.memref_slice %arg3[%dma_start3A_193, %dma_start3A_194] : memref<1000000x32xf32, #tpu.memory_space<hbm>> -> memref<1000000x32xf32, #tpu.memory_space<hbm>>
        tpu.enqueue_indirect_dma source(%dma_start3A_195 : memref<1000000x32xf32, #tpu.memory_space<hbm>>) target(%arg11 : memref<200x32xf32, #tpu.memory_space<vmem>>) offsets(%dma_start3A_192 : memref<200xi32, #tpu.memory_space<vmem>>) semaphore(%arg17 : memref<!tpu.dma_semaphore, #tpu.memory_space<semaphore_mem>>)
      } else {
      }
      %scan3A_187 = arith.constant 0 : i32
      scf.yield %scan3A_187 : i32
    }
    %scan3A_35 = arith.constant 32 : i32
    %add3A_36 = arith.constant 126 : i32
    %add3A_37 = arith.addi %mul3A_2, %add3A_36 : i32
    %mul3A_38 = arith.constant 50 : i32
    %mul3A_39 = arith.muli %add3A_37, %mul3A_38 : i32
    %dma_wait3A = arith.constant 0 : i32
    %dma_wait3A_40 = tpu.memref_slice %arg5[%mul3A_39, %dma_wait3A] : memref<204800x128xf32, #tpu.memory_space<hbm>> -> memref<50x128xf32, #tpu.memory_space<hbm>>
    %dma_wait3A_41 = arith.constant 0 : i32
    %dma_wait3A_42 = tpu.memref_slice %arg5[%mul3A_39, %dma_wait3A_41] : memref<204800x128xf32, #tpu.memory_space<hbm>> -> memref<50x128xf32, #tpu.memory_space<hbm>>
    tpu.wait_dma2 semaphore(%arg18 : memref<!tpu.dma_semaphore, #tpu.memory_space<semaphore_mem>>) src(%arg12 : memref<50x128xf32, #tpu.memory_space<vmem>>) dst(%dma_wait3A_42 : memref<50x128xf32, #tpu.memory_space<hbm>>)
    %add3A_43 = arith.constant 127 : i32
    %add3A_44 = arith.addi %mul3A_2, %add3A_43 : i32
    %mul3A_45 = arith.constant 50 : i32
    %mul3A_46 = arith.muli %add3A_44, %mul3A_45 : i32
    %dma_wait3A_47 = arith.constant 0 : i32
    %dma_wait3A_48 = tpu.memref_slice %arg5[%mul3A_46, %dma_wait3A_47] : memref<204800x128xf32, #tpu.memory_space<hbm>> -> memref<50x128xf32, #tpu.memory_space<hbm>>
    %dma_wait3A_49 = arith.constant 0 : i32
    %dma_wait3A_50 = tpu.memref_slice %arg5[%mul3A_46, %dma_wait3A_49] : memref<204800x128xf32, #tpu.memory_space<hbm>> -> memref<50x128xf32, #tpu.memory_space<hbm>>
    tpu.wait_dma2 semaphore(%arg19 : memref<!tpu.dma_semaphore, #tpu.memory_space<semaphore_mem>>) src(%arg13 : memref<50x128xf32, #tpu.memory_space<vmem>>) dst(%dma_wait3A_50 : memref<50x128xf32, #tpu.memory_space<hbm>>)
    return
  }
}

module attributes {stable_mosaic.version = 14 : i64} {
  func.func @body(%arg0: i32, %arg1: memref<32x2048xf32, #tpu.memory_space<vmem>>, %arg2: memref<512x128xf32, #tpu.memory_space<vmem>>) attributes {dimension_semantics = [#tpu.dimension_semantics<arbitrary>], iteration_bounds = array<i64: 489>, scalar_prefetch = 0 : i64, scratch_operands = 0 : i64, tpu.core_type = #tpu.core_type<tc>, window_params = [{transform_indices = @transform_0, window_bounds = array<i64: 32, 2048>}, {transform_indices = @transform_1, window_bounds = array<i64: 512, 128>}]} {
    %get3A = arith.constant 0 : index
    %get3A_0 = arith.constant 0 : index
    %get3A_1 = vector.load %arg1[%get3A, %get3A_0] : memref<32x2048xf32, #tpu.memory_space<vmem>>, vector<32x2048xf32>
    %reshape3A = vector.shape_cast %get3A_1 : vector<32x2048xf32> to vector<32x16x128xf32>
    %iota3A = tpu.iota {dimensions = array<i32: 0>} : vector<128x128xi32>
    %iota3A_2 = tpu.iota {dimensions = array<i32: 1>} : vector<128x128xi32>
    %jit3A = arith.constant 32 : i32
    %eq3A = arith.constant 0 : i32
    %eq3A_3 = arith.cmpi eq, %jit3A, %eq3A : i32
    %jit3A_4 = arith.constant 1 : i32
    %select_n3A = arith.select %eq3A_3, %jit3A_4, %jit3A : i32
    %rem3A = vector.broadcast %select_n3A : i32 to vector<128x128xi32>
    %rem3A_5 = arith.remsi %iota3A, %rem3A : vector<128x128xi32>
    %ne3A = arith.constant 0 : i32
    %ne3A_6 = vector.broadcast %ne3A : i32 to vector<128x128xi32>
    %ne3A_7 = arith.cmpi ne, %rem3A_5, %ne3A_6 : vector<128x128xi32>
    %lt3A = arith.constant 0 : i32
    %lt3A_8 = vector.broadcast %lt3A : i32 to vector<128x128xi32>
    %lt3A_9 = arith.cmpi slt, %rem3A_5, %lt3A_8 : vector<128x128xi32>
    %lt3A_10 = arith.constant 0 : i32
    %lt3A_11 = arith.cmpi slt, %select_n3A, %lt3A_10 : i32
    %ne3A_12 = vector.broadcast %lt3A_11 : i1 to vector<128x128xi1>
    %ne3A_13 = vector.broadcast %ne3A_12 : vector<128x128xi1> to vector<128x128xi1>
    %ne3A_14 = arith.xori %lt3A_9, %ne3A_13 : vector<128x128xi1>
    %and3A = arith.andi %ne3A_14, %ne3A_7 : vector<128x128xi1>
    %add3A = vector.broadcast %select_n3A : i32 to vector<128x128xi32>
    %add3A_15 = arith.addi %rem3A_5, %add3A : vector<128x128xi32>
    %select_n3A_16 = arith.select %and3A, %add3A_15, %rem3A_5 : vector<128x128xi1>, vector<128x128xi32>
    %mul3A = arith.constant 4 : i32
    %mul3A_17 = vector.broadcast %mul3A : i32 to vector<128x128xi32>
    %mul3A_18 = arith.muli %mul3A_17, %select_n3A_16 : vector<128x128xi32>
    %jit3A_19 = arith.constant 32 : i32
    %div3A = vector.broadcast %jit3A_19 : i32 to vector<128x128xi32>
    %div3A_20 = arith.divsi %iota3A, %div3A : vector<128x128xi32>
    %sign3A = arith.constant 0 : i32
    %sign3A_21 = vector.broadcast %sign3A : i32 to vector<128x128xi32>
    %sign3A_22 = arith.cmpi sgt, %iota3A, %sign3A_21 : vector<128x128xi32>
    %sign3A_23 = arith.extui %sign3A_22 : vector<128x128xi1> to vector<128x128xi32>
    %sign3A_24 = arith.constant 0 : i32
    %sign3A_25 = vector.broadcast %sign3A_24 : i32 to vector<128x128xi32>
    %sign3A_26 = arith.cmpi slt, %iota3A, %sign3A_25 : vector<128x128xi32>
    %sign3A_27 = arith.extui %sign3A_26 : vector<128x128xi1> to vector<128x128xi32>
    %sign3A_28 = arith.subi %sign3A_23, %sign3A_27 : vector<128x128xi32>
    %sign3A_29 = arith.constant 0 : i32
    %sign3A_30 = arith.cmpi sgt, %jit3A_19, %sign3A_29 : i32
    %sign3A_31 = arith.extui %sign3A_30 : i1 to i32
    %sign3A_32 = arith.constant 0 : i32
    %sign3A_33 = arith.cmpi slt, %jit3A_19, %sign3A_32 : i32
    %sign3A_34 = arith.extui %sign3A_33 : i1 to i32
    %sign3A_35 = arith.subi %sign3A_31, %sign3A_34 : i32
    %ne3A_36 = vector.broadcast %sign3A_35 : i32 to vector<128x128xi32>
    %ne3A_37 = arith.cmpi ne, %sign3A_28, %ne3A_36 : vector<128x128xi32>
    %rem3A_38 = vector.broadcast %jit3A_19 : i32 to vector<128x128xi32>
    %rem3A_39 = arith.remsi %iota3A, %rem3A_38 : vector<128x128xi32>
    %ne3A_40 = arith.constant 0 : i32
    %ne3A_41 = vector.broadcast %ne3A_40 : i32 to vector<128x128xi32>
    %ne3A_42 = arith.cmpi ne, %rem3A_39, %ne3A_41 : vector<128x128xi32>
    %and3A_43 = arith.andi %ne3A_37, %ne3A_42 : vector<128x128xi1>
    %sub3A = arith.constant 1 : i32
    %sub3A_44 = vector.broadcast %sub3A : i32 to vector<128x128xi32>
    %sub3A_45 = arith.subi %div3A_20, %sub3A_44 : vector<128x128xi32>
    %select_n3A_46 = arith.select %and3A_43, %sub3A_45, %div3A_20 : vector<128x128xi1>, vector<128x128xi32>
    %add3A_47 = arith.addi %mul3A_18, %select_n3A_46 : vector<128x128xi32>
    %eq3A_48 = arith.cmpi eq, %iota3A_2, %add3A_47 : vector<128x128xi32>
    %convert_element_type3A = arith.extui %eq3A_48 : vector<128x128xi1> to vector<128x128xi32>
    %convert_element_type3A_49 = arith.sitofp %convert_element_type3A : vector<128x128xi32> to vector<128x128xf32>
    %slice3A = vector.extract_strided_slice %reshape3A {offsets = [0, 0, 0], sizes = [32, 1, 128], strides = [1, 1, 1]} : vector<32x16x128xf32> to vector<32x1x128xf32>
    %squeeze3A = vector.shape_cast %slice3A : vector<32x1x128xf32> to vector<32x128xf32>
    %dot_general3A = arith.constant dense<0.000000e+00> : vector<128x32xf32>
    %dot_general3A_50 = tpu.matmul %convert_element_type3A_49, %squeeze3A, %dot_general3A {dimension_numbers = #tpu.dot_dimension_numbers<[1], [1], [0], [0], [0, 0, 1, 0], [], []>, transpose_lhs_hint = false} : vector<128x128xf32>, vector<32x128xf32>, vector<128x32xf32> -> vector<128x32xf32>
    %slice3A_51 = vector.extract_strided_slice %dot_general3A_50 {offsets = [0, 0], sizes = [32, 32], strides = [1, 1]} : vector<128x32xf32> to vector<32x32xf32>
    %swap3A = arith.constant 0 : index
    %swap3A_52 = arith.constant 0 : index
    %swap3A_53 = vector.load %arg2[%swap3A, %swap3A_52] : memref<512x128xf32, #tpu.memory_space<vmem>>, vector<32x32xf32>
    tpu.vector_store %arg2[%swap3A, %swap3A_52], %slice3A_51 {strides = array<i32>} : memref<512x128xf32, #tpu.memory_space<vmem>>, vector<32x32xf32>,
    %slice3A_54 = vector.extract_strided_slice %dot_general3A_50 {offsets = [32, 0], sizes = [32, 32], strides = [1, 1]} : vector<128x32xf32> to vector<32x32xf32>
    %swap3A_55 = arith.constant 0 : index
    %swap3A_56 = arith.constant 32 : index
    %swap3A_57 = vector.load %arg2[%swap3A_55, %swap3A_56] : memref<512x128xf32, #tpu.memory_space<vmem>>, vector<32x32xf32>
    tpu.vector_store %arg2[%swap3A_55, %swap3A_56], %slice3A_54 {strides = array<i32>} : memref<512x128xf32, #tpu.memory_space<vmem>>, vector<32x32xf32>,
    %slice3A_58 = vector.extract_strided_slice %dot_general3A_50 {offsets = [64, 0], sizes = [32, 32], strides = [1, 1]} : vector<128x32xf32> to vector<32x32xf32>
    %swap3A_59 = arith.constant 0 : index
    %swap3A_60 = arith.constant 64 : index
    %swap3A_61 = vector.load %arg2[%swap3A_59, %swap3A_60] : memref<512x128xf32, #tpu.memory_space<vmem>>, vector<32x32xf32>
    tpu.vector_store %arg2[%swap3A_59, %swap3A_60], %slice3A_58 {strides = array<i32>} : memref<512x128xf32, #tpu.memory_space<vmem>>, vector<32x32xf32>,
    %slice3A_62 = vector.extract_strided_slice %dot_general3A_50 {offsets = [96, 0], sizes = [32, 32], strides = [1, 1]} : vector<128x32xf32> to vector<32x32xf32>
    %swap3A_63 = arith.constant 0 : index
    %swap3A_64 = arith.constant 96 : index
    %swap3A_65 = vector.load %arg2[%swap3A_63, %swap3A_64] : memref<512x128xf32, #tpu.memory_space<vmem>>, vector<32x32xf32>
    tpu.vector_store %arg2[%swap3A_63, %swap3A_64], %slice3A_62 {strides = array<i32>} : memref<512x128xf32, #tpu.memory_space<vmem>>, vector<32x32xf32>,
    %slice3A_66 = vector.extract_strided_slice %reshape3A {offsets = [0, 1, 0], sizes = [32, 1, 128], strides = [1, 1, 1]} : vector<32x16x128xf32> to vector<32x1x128xf32>
    %squeeze3A_67 = vector.shape_cast %slice3A_66 : vector<32x1x128xf32> to vector<32x128xf32>
    %dot_general3A_68 = arith.constant dense<0.000000e+00> : vector<128x32xf32>
    %dot_general3A_69 = tpu.matmul %convert_element_type3A_49, %squeeze3A_67, %dot_general3A_68 {dimension_numbers = #tpu.dot_dimension_numbers<[1], [1], [0], [0], [0, 0, 1, 0], [], []>, transpose_lhs_hint = false} : vector<128x128xf32>, vector<32x128xf32>, vector<128x32xf32> -> vector<128x32xf32>
    %slice3A_70 = vector.extract_strided_slice %dot_general3A_69 {offsets = [0, 0], sizes = [32, 32], strides = [1, 1]} : vector<128x32xf32> to vector<32x32xf32>
    %swap3A_71 = arith.constant 32 : index
    %swap3A_72 = arith.constant 0 : index
    %swap3A_73 = vector.load %arg2[%swap3A_71, %swap3A_72] : memref<512x128xf32, #tpu.memory_space<vmem>>, vector<32x32xf32>
    tpu.vector_store %arg2[%swap3A_71, %swap3A_72], %slice3A_70 {strides = array<i32>} : memref<512x128xf32, #tpu.memory_space<vmem>>, vector<32x32xf32>,
    %slice3A_74 = vector.extract_strided_slice %dot_general3A_69 {offsets = [32, 0], sizes = [32, 32], strides = [1, 1]} : vector<128x32xf32> to vector<32x32xf32>
    %swap3A_75 = arith.constant 32 : index
    %swap3A_76 = arith.constant 32 : index
    %swap3A_77 = vector.load %arg2[%swap3A_75, %swap3A_76] : memref<512x128xf32, #tpu.memory_space<vmem>>, vector<32x32xf32>
    tpu.vector_store %arg2[%swap3A_75, %swap3A_76], %slice3A_74 {strides = array<i32>} : memref<512x128xf32, #tpu.memory_space<vmem>>, vector<32x32xf32>,
    %slice3A_78 = vector.extract_strided_slice %dot_general3A_69 {offsets = [64, 0], sizes = [32, 32], strides = [1, 1]} : vector<128x32xf32> to vector<32x32xf32>
    %swap3A_79 = arith.constant 32 : index
    %swap3A_80 = arith.constant 64 : index
    %swap3A_81 = vector.load %arg2[%swap3A_79, %swap3A_80] : memref<512x128xf32, #tpu.memory_space<vmem>>, vector<32x32xf32>
    tpu.vector_store %arg2[%swap3A_79, %swap3A_80], %slice3A_78 {strides = array<i32>} : memref<512x128xf32, #tpu.memory_space<vmem>>, vector<32x32xf32>,
    %slice3A_82 = vector.extract_strided_slice %dot_general3A_69 {offsets = [96, 0], sizes = [32, 32], strides = [1, 1]} : vector<128x32xf32> to vector<32x32xf32>
    %swap3A_83 = arith.constant 32 : index
    %swap3A_84 = arith.constant 96 : index
    %swap3A_85 = vector.load %arg2[%swap3A_83, %swap3A_84] : memref<512x128xf32, #tpu.memory_space<vmem>>, vector<32x32xf32>
    tpu.vector_store %arg2[%swap3A_83, %swap3A_84], %slice3A_82 {strides = array<i32>} : memref<512x128xf32, #tpu.memory_space<vmem>>, vector<32x32xf32>,
    %slice3A_86 = vector.extract_strided_slice %reshape3A {offsets = [0, 2, 0], sizes = [32, 1, 128], strides = [1, 1, 1]} : vector<32x16x128xf32> to vector<32x1x128xf32>
    %squeeze3A_87 = vector.shape_cast %slice3A_86 : vector<32x1x128xf32> to vector<32x128xf32>
    %dot_general3A_88 = arith.constant dense<0.000000e+00> : vector<128x32xf32>
    %dot_general3A_89 = tpu.matmul %convert_element_type3A_49, %squeeze3A_87, %dot_general3A_88 {dimension_numbers = #tpu.dot_dimension_numbers<[1], [1], [0], [0], [0, 0, 1, 0], [], []>, transpose_lhs_hint = false} : vector<128x128xf32>, vector<32x128xf32>, vector<128x32xf32> -> vector<128x32xf32>
    %slice3A_90 = vector.extract_strided_slice %dot_general3A_89 {offsets = [0, 0], sizes = [32, 32], strides = [1, 1]} : vector<128x32xf32> to vector<32x32xf32>
    %swap3A_91 = arith.constant 64 : index
    %swap3A_92 = arith.constant 0 : index
    %swap3A_93 = vector.load %arg2[%swap3A_91, %swap3A_92] : memref<512x128xf32, #tpu.memory_space<vmem>>, vector<32x32xf32>
    tpu.vector_store %arg2[%swap3A_91, %swap3A_92], %slice3A_90 {strides = array<i32>} : memref<512x128xf32, #tpu.memory_space<vmem>>, vector<32x32xf32>,
    %slice3A_94 = vector.extract_strided_slice %dot_general3A_89 {offsets = [32, 0], sizes = [32, 32], strides = [1, 1]} : vector<128x32xf32> to vector<32x32xf32>
    %swap3A_95 = arith.constant 64 : index
    %swap3A_96 = arith.constant 32 : index
    %swap3A_97 = vector.load %arg2[%swap3A_95, %swap3A_96] : memref<512x128xf32, #tpu.memory_space<vmem>>, vector<32x32xf32>
    tpu.vector_store %arg2[%swap3A_95, %swap3A_96], %slice3A_94 {strides = array<i32>} : memref<512x128xf32, #tpu.memory_space<vmem>>, vector<32x32xf32>,
    %slice3A_98 = vector.extract_strided_slice %dot_general3A_89 {offsets = [64, 0], sizes = [32, 32], strides = [1, 1]} : vector<128x32xf32> to vector<32x32xf32>
    %swap3A_99 = arith.constant 64 : index
    %swap3A_100 = arith.constant 64 : index
    %swap3A_101 = vector.load %arg2[%swap3A_99, %swap3A_100] : memref<512x128xf32, #tpu.memory_space<vmem>>, vector<32x32xf32>
    tpu.vector_store %arg2[%swap3A_99, %swap3A_100], %slice3A_98 {strides = array<i32>} : memref<512x128xf32, #tpu.memory_space<vmem>>, vector<32x32xf32>,
    %slice3A_102 = vector.extract_strided_slice %dot_general3A_89 {offsets = [96, 0], sizes = [32, 32], strides = [1, 1]} : vector<128x32xf32> to vector<32x32xf32>
    %swap3A_103 = arith.constant 64 : index
    %swap3A_104 = arith.constant 96 : index
    %swap3A_105 = vector.load %arg2[%swap3A_103, %swap3A_104] : memref<512x128xf32, #tpu.memory_space<vmem>>, vector<32x32xf32>
    tpu.vector_store %arg2[%swap3A_103, %swap3A_104], %slice3A_102 {strides = array<i32>} : memref<512x128xf32, #tpu.memory_space<vmem>>, vector<32x32xf32>,
    %slice3A_106 = vector.extract_strided_slice %reshape3A {offsets = [0, 3, 0], sizes = [32, 1, 128], strides = [1, 1, 1]} : vector<32x16x128xf32> to vector<32x1x128xf32>
    %squeeze3A_107 = vector.shape_cast %slice3A_106 : vector<32x1x128xf32> to vector<32x128xf32>
    %dot_general3A_108 = arith.constant dense<0.000000e+00> : vector<128x32xf32>
    %dot_general3A_109 = tpu.matmul %convert_element_type3A_49, %squeeze3A_107, %dot_general3A_108 {dimension_numbers = #tpu.dot_dimension_numbers<[1], [1], [0], [0], [0, 0, 1, 0], [], []>, transpose_lhs_hint = false} : vector<128x128xf32>, vector<32x128xf32>, vector<128x32xf32> -> vector<128x32xf32>
    %slice3A_110 = vector.extract_strided_slice %dot_general3A_109 {offsets = [0, 0], sizes = [32, 32], strides = [1, 1]} : vector<128x32xf32> to vector<32x32xf32>
    %swap3A_111 = arith.constant 96 : index
    %swap3A_112 = arith.constant 0 : index
    %swap3A_113 = vector.load %arg2[%swap3A_111, %swap3A_112] : memref<512x128xf32, #tpu.memory_space<vmem>>, vector<32x32xf32>
    tpu.vector_store %arg2[%swap3A_111, %swap3A_112], %slice3A_110 {strides = array<i32>} : memref<512x128xf32, #tpu.memory_space<vmem>>, vector<32x32xf32>,
    %slice3A_114 = vector.extract_strided_slice %dot_general3A_109 {offsets = [32, 0], sizes = [32, 32], strides = [1, 1]} : vector<128x32xf32> to vector<32x32xf32>
    %swap3A_115 = arith.constant 96 : index
    %swap3A_116 = arith.constant 32 : index
    %swap3A_117 = vector.load %arg2[%swap3A_115, %swap3A_116] : memref<512x128xf32, #tpu.memory_space<vmem>>, vector<32x32xf32>
    tpu.vector_store %arg2[%swap3A_115, %swap3A_116], %slice3A_114 {strides = array<i32>} : memref<512x128xf32, #tpu.memory_space<vmem>>, vector<32x32xf32>,
    %slice3A_118 = vector.extract_strided_slice %dot_general3A_109 {offsets = [64, 0], sizes = [32, 32], strides = [1, 1]} : vector<128x32xf32> to vector<32x32xf32>
    %swap3A_119 = arith.constant 96 : index
    %swap3A_120 = arith.constant 64 : index
    %swap3A_121 = vector.load %arg2[%swap3A_119, %swap3A_120] : memref<512x128xf32, #tpu.memory_space<vmem>>, vector<32x32xf32>
    tpu.vector_store %arg2[%swap3A_119, %swap3A_120], %slice3A_118 {strides = array<i32>} : memref<512x128xf32, #tpu.memory_space<vmem>>, vector<32x32xf32>,
    %slice3A_122 = vector.extract_strided_slice %dot_general3A_109 {offsets = [96, 0], sizes = [32, 32], strides = [1, 1]} : vector<128x32xf32> to vector<32x32xf32>
    %swap3A_123 = arith.constant 96 : index
    %swap3A_124 = arith.constant 96 : index
    %swap3A_125 = vector.load %arg2[%swap3A_123, %swap3A_124] : memref<512x128xf32, #tpu.memory_space<vmem>>, vector<32x32xf32>
    tpu.vector_store %arg2[%swap3A_123, %swap3A_124], %slice3A_122 {strides = array<i32>} : memref<512x128xf32, #tpu.memory_space<vmem>>, vector<32x32xf32>,
    %slice3A_126 = vector.extract_strided_slice %reshape3A {offsets = [0, 4, 0], sizes = [32, 1, 128], strides = [1, 1, 1]} : vector<32x16x128xf32> to vector<32x1x128xf32>
    %squeeze3A_127 = vector.shape_cast %slice3A_126 : vector<32x1x128xf32> to vector<32x128xf32>
    %dot_general3A_128 = arith.constant dense<0.000000e+00> : vector<128x32xf32>
    %dot_general3A_129 = tpu.matmul %convert_element_type3A_49, %squeeze3A_127, %dot_general3A_128 {dimension_numbers = #tpu.dot_dimension_numbers<[1], [1], [0], [0], [0, 0, 1, 0], [], []>, transpose_lhs_hint = false} : vector<128x128xf32>, vector<32x128xf32>, vector<128x32xf32> -> vector<128x32xf32>
    %slice3A_130 = vector.extract_strided_slice %dot_general3A_129 {offsets = [0, 0], sizes = [32, 32], strides = [1, 1]} : vector<128x32xf32> to vector<32x32xf32>
    %swap3A_131 = arith.constant 128 : index
    %swap3A_132 = arith.constant 0 : index
    %swap3A_133 = vector.load %arg2[%swap3A_131, %swap3A_132] : memref<512x128xf32, #tpu.memory_space<vmem>>, vector<32x32xf32>
    tpu.vector_store %arg2[%swap3A_131, %swap3A_132], %slice3A_130 {strides = array<i32>} : memref<512x128xf32, #tpu.memory_space<vmem>>, vector<32x32xf32>,
    %slice3A_134 = vector.extract_strided_slice %dot_general3A_129 {offsets = [32, 0], sizes = [32, 32], strides = [1, 1]} : vector<128x32xf32> to vector<32x32xf32>
    %swap3A_135 = arith.constant 128 : index
    %swap3A_136 = arith.constant 32 : index
    %swap3A_137 = vector.load %arg2[%swap3A_135, %swap3A_136] : memref<512x128xf32, #tpu.memory_space<vmem>>, vector<32x32xf32>
    tpu.vector_store %arg2[%swap3A_135, %swap3A_136], %slice3A_134 {strides = array<i32>} : memref<512x128xf32, #tpu.memory_space<vmem>>, vector<32x32xf32>,
    %slice3A_138 = vector.extract_strided_slice %dot_general3A_129 {offsets = [64, 0], sizes = [32, 32], strides = [1, 1]} : vector<128x32xf32> to vector<32x32xf32>
    %swap3A_139 = arith.constant 128 : index
    %swap3A_140 = arith.constant 64 : index
    %swap3A_141 = vector.load %arg2[%swap3A_139, %swap3A_140] : memref<512x128xf32, #tpu.memory_space<vmem>>, vector<32x32xf32>
    tpu.vector_store %arg2[%swap3A_139, %swap3A_140], %slice3A_138 {strides = array<i32>} : memref<512x128xf32, #tpu.memory_space<vmem>>, vector<32x32xf32>,
    %slice3A_142 = vector.extract_strided_slice %dot_general3A_129 {offsets = [96, 0], sizes = [32, 32], strides = [1, 1]} : vector<128x32xf32> to vector<32x32xf32>
    %swap3A_143 = arith.constant 128 : index
    %swap3A_144 = arith.constant 96 : index
    %swap3A_145 = vector.load %arg2[%swap3A_143, %swap3A_144] : memref<512x128xf32, #tpu.memory_space<vmem>>, vector<32x32xf32>
    tpu.vector_store %arg2[%swap3A_143, %swap3A_144], %slice3A_142 {strides = array<i32>} : memref<512x128xf32, #tpu.memory_space<vmem>>, vector<32x32xf32>,
    %slice3A_146 = vector.extract_strided_slice %reshape3A {offsets = [0, 5, 0], sizes = [32, 1, 128], strides = [1, 1, 1]} : vector<32x16x128xf32> to vector<32x1x128xf32>
    %squeeze3A_147 = vector.shape_cast %slice3A_146 : vector<32x1x128xf32> to vector<32x128xf32>
    %dot_general3A_148 = arith.constant dense<0.000000e+00> : vector<128x32xf32>
    %dot_general3A_149 = tpu.matmul %convert_element_type3A_49, %squeeze3A_147, %dot_general3A_148 {dimension_numbers = #tpu.dot_dimension_numbers<[1], [1], [0], [0], [0, 0, 1, 0], [], []>, transpose_lhs_hint = false} : vector<128x128xf32>, vector<32x128xf32>, vector<128x32xf32> -> vector<128x32xf32>
    %slice3A_150 = vector.extract_strided_slice %dot_general3A_149 {offsets = [0, 0], sizes = [32, 32], strides = [1, 1]} : vector<128x32xf32> to vector<32x32xf32>
    %swap3A_151 = arith.constant 160 : index
    %swap3A_152 = arith.constant 0 : index
    %swap3A_153 = vector.load %arg2[%swap3A_151, %swap3A_152] : memref<512x128xf32, #tpu.memory_space<vmem>>, vector<32x32xf32>
    tpu.vector_store %arg2[%swap3A_151, %swap3A_152], %slice3A_150 {strides = array<i32>} : memref<512x128xf32, #tpu.memory_space<vmem>>, vector<32x32xf32>,
    %slice3A_154 = vector.extract_strided_slice %dot_general3A_149 {offsets = [32, 0], sizes = [32, 32], strides = [1, 1]} : vector<128x32xf32> to vector<32x32xf32>
    %swap3A_155 = arith.constant 160 : index
    %swap3A_156 = arith.constant 32 : index
    %swap3A_157 = vector.load %arg2[%swap3A_155, %swap3A_156] : memref<512x128xf32, #tpu.memory_space<vmem>>, vector<32x32xf32>
    tpu.vector_store %arg2[%swap3A_155, %swap3A_156], %slice3A_154 {strides = array<i32>} : memref<512x128xf32, #tpu.memory_space<vmem>>, vector<32x32xf32>,
    %slice3A_158 = vector.extract_strided_slice %dot_general3A_149 {offsets = [64, 0], sizes = [32, 32], strides = [1, 1]} : vector<128x32xf32> to vector<32x32xf32>
    %swap3A_159 = arith.constant 160 : index
    %swap3A_160 = arith.constant 64 : index
    %swap3A_161 = vector.load %arg2[%swap3A_159, %swap3A_160] : memref<512x128xf32, #tpu.memory_space<vmem>>, vector<32x32xf32>
    tpu.vector_store %arg2[%swap3A_159, %swap3A_160], %slice3A_158 {strides = array<i32>} : memref<512x128xf32, #tpu.memory_space<vmem>>, vector<32x32xf32>,
    %slice3A_162 = vector.extract_strided_slice %dot_general3A_149 {offsets = [96, 0], sizes = [32, 32], strides = [1, 1]} : vector<128x32xf32> to vector<32x32xf32>
    %swap3A_163 = arith.constant 160 : index
    %swap3A_164 = arith.constant 96 : index
    %swap3A_165 = vector.load %arg2[%swap3A_163, %swap3A_164] : memref<512x128xf32, #tpu.memory_space<vmem>>, vector<32x32xf32>
    tpu.vector_store %arg2[%swap3A_163, %swap3A_164], %slice3A_162 {strides = array<i32>} : memref<512x128xf32, #tpu.memory_space<vmem>>, vector<32x32xf32>,
    %slice3A_166 = vector.extract_strided_slice %reshape3A {offsets = [0, 6, 0], sizes = [32, 1, 128], strides = [1, 1, 1]} : vector<32x16x128xf32> to vector<32x1x128xf32>
    %squeeze3A_167 = vector.shape_cast %slice3A_166 : vector<32x1x128xf32> to vector<32x128xf32>
    %dot_general3A_168 = arith.constant dense<0.000000e+00> : vector<128x32xf32>
    %dot_general3A_169 = tpu.matmul %convert_element_type3A_49, %squeeze3A_167, %dot_general3A_168 {dimension_numbers = #tpu.dot_dimension_numbers<[1], [1], [0], [0], [0, 0, 1, 0], [], []>, transpose_lhs_hint = false} : vector<128x128xf32>, vector<32x128xf32>, vector<128x32xf32> -> vector<128x32xf32>
    %slice3A_170 = vector.extract_strided_slice %dot_general3A_169 {offsets = [0, 0], sizes = [32, 32], strides = [1, 1]} : vector<128x32xf32> to vector<32x32xf32>
    %swap3A_171 = arith.constant 192 : index
    %swap3A_172 = arith.constant 0 : index
    %swap3A_173 = vector.load %arg2[%swap3A_171, %swap3A_172] : memref<512x128xf32, #tpu.memory_space<vmem>>, vector<32x32xf32>
    tpu.vector_store %arg2[%swap3A_171, %swap3A_172], %slice3A_170 {strides = array<i32>} : memref<512x128xf32, #tpu.memory_space<vmem>>, vector<32x32xf32>,
    %slice3A_174 = vector.extract_strided_slice %dot_general3A_169 {offsets = [32, 0], sizes = [32, 32], strides = [1, 1]} : vector<128x32xf32> to vector<32x32xf32>
    %swap3A_175 = arith.constant 192 : index
    %swap3A_176 = arith.constant 32 : index
    %swap3A_177 = vector.load %arg2[%swap3A_175, %swap3A_176] : memref<512x128xf32, #tpu.memory_space<vmem>>, vector<32x32xf32>
    tpu.vector_store %arg2[%swap3A_175, %swap3A_176], %slice3A_174 {strides = array<i32>} : memref<512x128xf32, #tpu.memory_space<vmem>>, vector<32x32xf32>,
    %slice3A_178 = vector.extract_strided_slice %dot_general3A_169 {offsets = [64, 0], sizes = [32, 32], strides = [1, 1]} : vector<128x32xf32> to vector<32x32xf32>
    %swap3A_179 = arith.constant 192 : index
    %swap3A_180 = arith.constant 64 : index
    %swap3A_181 = vector.load %arg2[%swap3A_179, %swap3A_180] : memref<512x128xf32, #tpu.memory_space<vmem>>, vector<32x32xf32>
    tpu.vector_store %arg2[%swap3A_179, %swap3A_180], %slice3A_178 {strides = array<i32>} : memref<512x128xf32, #tpu.memory_space<vmem>>, vector<32x32xf32>,
    %slice3A_182 = vector.extract_strided_slice %dot_general3A_169 {offsets = [96, 0], sizes = [32, 32], strides = [1, 1]} : vector<128x32xf32> to vector<32x32xf32>
    %swap3A_183 = arith.constant 192 : index
    %swap3A_184 = arith.constant 96 : index
    %swap3A_185 = vector.load %arg2[%swap3A_183, %swap3A_184] : memref<512x128xf32, #tpu.memory_space<vmem>>, vector<32x32xf32>
    tpu.vector_store %arg2[%swap3A_183, %swap3A_184], %slice3A_182 {strides = array<i32>} : memref<512x128xf32, #tpu.memory_space<vmem>>, vector<32x32xf32>,
    %slice3A_186 = vector.extract_strided_slice %reshape3A {offsets = [0, 7, 0], sizes = [32, 1, 128], strides = [1, 1, 1]} : vector<32x16x128xf32> to vector<32x1x128xf32>
    %squeeze3A_187 = vector.shape_cast %slice3A_186 : vector<32x1x128xf32> to vector<32x128xf32>
    %dot_general3A_188 = arith.constant dense<0.000000e+00> : vector<128x32xf32>
    %dot_general3A_189 = tpu.matmul %convert_element_type3A_49, %squeeze3A_187, %dot_general3A_188 {dimension_numbers = #tpu.dot_dimension_numbers<[1], [1], [0], [0], [0, 0, 1, 0], [], []>, transpose_lhs_hint = false} : vector<128x128xf32>, vector<32x128xf32>, vector<128x32xf32> -> vector<128x32xf32>
    %slice3A_190 = vector.extract_strided_slice %dot_general3A_189 {offsets = [0, 0], sizes = [32, 32], strides = [1, 1]} : vector<128x32xf32> to vector<32x32xf32>
    %swap3A_191 = arith.constant 224 : index
    %swap3A_192 = arith.constant 0 : index
    %swap3A_193 = vector.load %arg2[%swap3A_191, %swap3A_192] : memref<512x128xf32, #tpu.memory_space<vmem>>, vector<32x32xf32>
    tpu.vector_store %arg2[%swap3A_191, %swap3A_192], %slice3A_190 {strides = array<i32>} : memref<512x128xf32, #tpu.memory_space<vmem>>, vector<32x32xf32>,
    %slice3A_194 = vector.extract_strided_slice %dot_general3A_189 {offsets = [32, 0], sizes = [32, 32], strides = [1, 1]} : vector<128x32xf32> to vector<32x32xf32>
    %swap3A_195 = arith.constant 224 : index
    %swap3A_196 = arith.constant 32 : index
    %swap3A_197 = vector.load %arg2[%swap3A_195, %swap3A_196] : memref<512x128xf32, #tpu.memory_space<vmem>>, vector<32x32xf32>
    tpu.vector_store %arg2[%swap3A_195, %swap3A_196], %slice3A_194 {strides = array<i32>} : memref<512x128xf32, #tpu.memory_space<vmem>>, vector<32x32xf32>,
    %slice3A_198 = vector.extract_strided_slice %dot_general3A_189 {offsets = [64, 0], sizes = [32, 32], strides = [1, 1]} : vector<128x32xf32> to vector<32x32xf32>
    %swap3A_199 = arith.constant 224 : index
    %swap3A_200 = arith.constant 64 : index
    %swap3A_201 = vector.load %arg2[%swap3A_199, %swap3A_200] : memref<512x128xf32, #tpu.memory_space<vmem>>, vector<32x32xf32>
    tpu.vector_store %arg2[%swap3A_199, %swap3A_200], %slice3A_198 {strides = array<i32>} : memref<512x128xf32, #tpu.memory_space<vmem>>, vector<32x32xf32>,
    %slice3A_202 = vector.extract_strided_slice %dot_general3A_189 {offsets = [96, 0], sizes = [32, 32], strides = [1, 1]} : vector<128x32xf32> to vector<32x32xf32>
    %swap3A_203 = arith.constant 224 : index
    %swap3A_204 = arith.constant 96 : index
    %swap3A_205 = vector.load %arg2[%swap3A_203, %swap3A_204] : memref<512x128xf32, #tpu.memory_space<vmem>>, vector<32x32xf32>
    tpu.vector_store %arg2[%swap3A_203, %swap3A_204], %slice3A_202 {strides = array<i32>} : memref<512x128xf32, #tpu.memory_space<vmem>>, vector<32x32xf32>,
    %slice3A_206 = vector.extract_strided_slice %reshape3A {offsets = [0, 8, 0], sizes = [32, 1, 128], strides = [1, 1, 1]} : vector<32x16x128xf32> to vector<32x1x128xf32>
    %squeeze3A_207 = vector.shape_cast %slice3A_206 : vector<32x1x128xf32> to vector<32x128xf32>
    %dot_general3A_208 = arith.constant dense<0.000000e+00> : vector<128x32xf32>
    %dot_general3A_209 = tpu.matmul %convert_element_type3A_49, %squeeze3A_207, %dot_general3A_208 {dimension_numbers = #tpu.dot_dimension_numbers<[1], [1], [0], [0], [0, 0, 1, 0], [], []>, transpose_lhs_hint = false} : vector<128x128xf32>, vector<32x128xf32>, vector<128x32xf32> -> vector<128x32xf32>
    %slice3A_210 = vector.extract_strided_slice %dot_general3A_209 {offsets = [0, 0], sizes = [32, 32], strides = [1, 1]} : vector<128x32xf32> to vector<32x32xf32>
    %swap3A_211 = arith.constant 256 : index
    %swap3A_212 = arith.constant 0 : index
    %swap3A_213 = vector.load %arg2[%swap3A_211, %swap3A_212] : memref<512x128xf32, #tpu.memory_space<vmem>>, vector<32x32xf32>
    tpu.vector_store %arg2[%swap3A_211, %swap3A_212], %slice3A_210 {strides = array<i32>} : memref<512x128xf32, #tpu.memory_space<vmem>>, vector<32x32xf32>,
    %slice3A_214 = vector.extract_strided_slice %dot_general3A_209 {offsets = [32, 0], sizes = [32, 32], strides = [1, 1]} : vector<128x32xf32> to vector<32x32xf32>
    %swap3A_215 = arith.constant 256 : index
    %swap3A_216 = arith.constant 32 : index
    %swap3A_217 = vector.load %arg2[%swap3A_215, %swap3A_216] : memref<512x128xf32, #tpu.memory_space<vmem>>, vector<32x32xf32>
    tpu.vector_store %arg2[%swap3A_215, %swap3A_216], %slice3A_214 {strides = array<i32>} : memref<512x128xf32, #tpu.memory_space<vmem>>, vector<32x32xf32>,
    %slice3A_218 = vector.extract_strided_slice %dot_general3A_209 {offsets = [64, 0], sizes = [32, 32], strides = [1, 1]} : vector<128x32xf32> to vector<32x32xf32>
    %swap3A_219 = arith.constant 256 : index
    %swap3A_220 = arith.constant 64 : index
    %swap3A_221 = vector.load %arg2[%swap3A_219, %swap3A_220] : memref<512x128xf32, #tpu.memory_space<vmem>>, vector<32x32xf32>
    tpu.vector_store %arg2[%swap3A_219, %swap3A_220], %slice3A_218 {strides = array<i32>} : memref<512x128xf32, #tpu.memory_space<vmem>>, vector<32x32xf32>,
    %slice3A_222 = vector.extract_strided_slice %dot_general3A_209 {offsets = [96, 0], sizes = [32, 32], strides = [1, 1]} : vector<128x32xf32> to vector<32x32xf32>
    %swap3A_223 = arith.constant 256 : index
    %swap3A_224 = arith.constant 96 : index
    %swap3A_225 = vector.load %arg2[%swap3A_223, %swap3A_224] : memref<512x128xf32, #tpu.memory_space<vmem>>, vector<32x32xf32>
    tpu.vector_store %arg2[%swap3A_223, %swap3A_224], %slice3A_222 {strides = array<i32>} : memref<512x128xf32, #tpu.memory_space<vmem>>, vector<32x32xf32>,
    %slice3A_226 = vector.extract_strided_slice %reshape3A {offsets = [0, 9, 0], sizes = [32, 1, 128], strides = [1, 1, 1]} : vector<32x16x128xf32> to vector<32x1x128xf32>
    %squeeze3A_227 = vector.shape_cast %slice3A_226 : vector<32x1x128xf32> to vector<32x128xf32>
    %dot_general3A_228 = arith.constant dense<0.000000e+00> : vector<128x32xf32>
    %dot_general3A_229 = tpu.matmul %convert_element_type3A_49, %squeeze3A_227, %dot_general3A_228 {dimension_numbers = #tpu.dot_dimension_numbers<[1], [1], [0], [0], [0, 0, 1, 0], [], []>, transpose_lhs_hint = false} : vector<128x128xf32>, vector<32x128xf32>, vector<128x32xf32> -> vector<128x32xf32>
    %slice3A_230 = vector.extract_strided_slice %dot_general3A_229 {offsets = [0, 0], sizes = [32, 32], strides = [1, 1]} : vector<128x32xf32> to vector<32x32xf32>
    %swap3A_231 = arith.constant 288 : index
    %swap3A_232 = arith.constant 0 : index
    %swap3A_233 = vector.load %arg2[%swap3A_231, %swap3A_232] : memref<512x128xf32, #tpu.memory_space<vmem>>, vector<32x32xf32>
    tpu.vector_store %arg2[%swap3A_231, %swap3A_232], %slice3A_230 {strides = array<i32>} : memref<512x128xf32, #tpu.memory_space<vmem>>, vector<32x32xf32>,
    %slice3A_234 = vector.extract_strided_slice %dot_general3A_229 {offsets = [32, 0], sizes = [32, 32], strides = [1, 1]} : vector<128x32xf32> to vector<32x32xf32>
    %swap3A_235 = arith.constant 288 : index
    %swap3A_236 = arith.constant 32 : index
    %swap3A_237 = vector.load %arg2[%swap3A_235, %swap3A_236] : memref<512x128xf32, #tpu.memory_space<vmem>>, vector<32x32xf32>
    tpu.vector_store %arg2[%swap3A_235, %swap3A_236], %slice3A_234 {strides = array<i32>} : memref<512x128xf32, #tpu.memory_space<vmem>>, vector<32x32xf32>,
    %slice3A_238 = vector.extract_strided_slice %dot_general3A_229 {offsets = [64, 0], sizes = [32, 32], strides = [1, 1]} : vector<128x32xf32> to vector<32x32xf32>
    %swap3A_239 = arith.constant 288 : index
    %swap3A_240 = arith.constant 64 : index
    %swap3A_241 = vector.load %arg2[%swap3A_239, %swap3A_240] : memref<512x128xf32, #tpu.memory_space<vmem>>, vector<32x32xf32>
    tpu.vector_store %arg2[%swap3A_239, %swap3A_240], %slice3A_238 {strides = array<i32>} : memref<512x128xf32, #tpu.memory_space<vmem>>, vector<32x32xf32>,
    %slice3A_242 = vector.extract_strided_slice %dot_general3A_229 {offsets = [96, 0], sizes = [32, 32], strides = [1, 1]} : vector<128x32xf32> to vector<32x32xf32>
    %swap3A_243 = arith.constant 288 : index
    %swap3A_244 = arith.constant 96 : index
    %swap3A_245 = vector.load %arg2[%swap3A_243, %swap3A_244] : memref<512x128xf32, #tpu.memory_space<vmem>>, vector<32x32xf32>
    tpu.vector_store %arg2[%swap3A_243, %swap3A_244], %slice3A_242 {strides = array<i32>} : memref<512x128xf32, #tpu.memory_space<vmem>>, vector<32x32xf32>,
    %slice3A_246 = vector.extract_strided_slice %reshape3A {offsets = [0, 10, 0], sizes = [32, 1, 128], strides = [1, 1, 1]} : vector<32x16x128xf32> to vector<32x1x128xf32>
    %squeeze3A_247 = vector.shape_cast %slice3A_246 : vector<32x1x128xf32> to vector<32x128xf32>
    %dot_general3A_248 = arith.constant dense<0.000000e+00> : vector<128x32xf32>
    %dot_general3A_249 = tpu.matmul %convert_element_type3A_49, %squeeze3A_247, %dot_general3A_248 {dimension_numbers = #tpu.dot_dimension_numbers<[1], [1], [0], [0], [0, 0, 1, 0], [], []>, transpose_lhs_hint = false} : vector<128x128xf32>, vector<32x128xf32>, vector<128x32xf32> -> vector<128x32xf32>
    %slice3A_250 = vector.extract_strided_slice %dot_general3A_249 {offsets = [0, 0], sizes = [32, 32], strides = [1, 1]} : vector<128x32xf32> to vector<32x32xf32>
    %swap3A_251 = arith.constant 320 : index
    %swap3A_252 = arith.constant 0 : index
    %swap3A_253 = vector.load %arg2[%swap3A_251, %swap3A_252] : memref<512x128xf32, #tpu.memory_space<vmem>>, vector<32x32xf32>
    tpu.vector_store %arg2[%swap3A_251, %swap3A_252], %slice3A_250 {strides = array<i32>} : memref<512x128xf32, #tpu.memory_space<vmem>>, vector<32x32xf32>,
    %slice3A_254 = vector.extract_strided_slice %dot_general3A_249 {offsets = [32, 0], sizes = [32, 32], strides = [1, 1]} : vector<128x32xf32> to vector<32x32xf32>
    %swap3A_255 = arith.constant 320 : index
    %swap3A_256 = arith.constant 32 : index
    %swap3A_257 = vector.load %arg2[%swap3A_255, %swap3A_256] : memref<512x128xf32, #tpu.memory_space<vmem>>, vector<32x32xf32>
    tpu.vector_store %arg2[%swap3A_255, %swap3A_256], %slice3A_254 {strides = array<i32>} : memref<512x128xf32, #tpu.memory_space<vmem>>, vector<32x32xf32>,
    %slice3A_258 = vector.extract_strided_slice %dot_general3A_249 {offsets = [64, 0], sizes = [32, 32], strides = [1, 1]} : vector<128x32xf32> to vector<32x32xf32>
    %swap3A_259 = arith.constant 320 : index
    %swap3A_260 = arith.constant 64 : index
    %swap3A_261 = vector.load %arg2[%swap3A_259, %swap3A_260] : memref<512x128xf32, #tpu.memory_space<vmem>>, vector<32x32xf32>
    tpu.vector_store %arg2[%swap3A_259, %swap3A_260], %slice3A_258 {strides = array<i32>} : memref<512x128xf32, #tpu.memory_space<vmem>>, vector<32x32xf32>,
    %slice3A_262 = vector.extract_strided_slice %dot_general3A_249 {offsets = [96, 0], sizes = [32, 32], strides = [1, 1]} : vector<128x32xf32> to vector<32x32xf32>
    %swap3A_263 = arith.constant 320 : index
    %swap3A_264 = arith.constant 96 : index
    %swap3A_265 = vector.load %arg2[%swap3A_263, %swap3A_264] : memref<512x128xf32, #tpu.memory_space<vmem>>, vector<32x32xf32>
    tpu.vector_store %arg2[%swap3A_263, %swap3A_264], %slice3A_262 {strides = array<i32>} : memref<512x128xf32, #tpu.memory_space<vmem>>, vector<32x32xf32>,
    %slice3A_266 = vector.extract_strided_slice %reshape3A {offsets = [0, 11, 0], sizes = [32, 1, 128], strides = [1, 1, 1]} : vector<32x16x128xf32> to vector<32x1x128xf32>
    %squeeze3A_267 = vector.shape_cast %slice3A_266 : vector<32x1x128xf32> to vector<32x128xf32>
    %dot_general3A_268 = arith.constant dense<0.000000e+00> : vector<128x32xf32>
    %dot_general3A_269 = tpu.matmul %convert_element_type3A_49, %squeeze3A_267, %dot_general3A_268 {dimension_numbers = #tpu.dot_dimension_numbers<[1], [1], [0], [0], [0, 0, 1, 0], [], []>, transpose_lhs_hint = false} : vector<128x128xf32>, vector<32x128xf32>, vector<128x32xf32> -> vector<128x32xf32>
    %slice3A_270 = vector.extract_strided_slice %dot_general3A_269 {offsets = [0, 0], sizes = [32, 32], strides = [1, 1]} : vector<128x32xf32> to vector<32x32xf32>
    %swap3A_271 = arith.constant 352 : index
    %swap3A_272 = arith.constant 0 : index
    %swap3A_273 = vector.load %arg2[%swap3A_271, %swap3A_272] : memref<512x128xf32, #tpu.memory_space<vmem>>, vector<32x32xf32>
    tpu.vector_store %arg2[%swap3A_271, %swap3A_272], %slice3A_270 {strides = array<i32>} : memref<512x128xf32, #tpu.memory_space<vmem>>, vector<32x32xf32>,
    %slice3A_274 = vector.extract_strided_slice %dot_general3A_269 {offsets = [32, 0], sizes = [32, 32], strides = [1, 1]} : vector<128x32xf32> to vector<32x32xf32>
    %swap3A_275 = arith.constant 352 : index
    %swap3A_276 = arith.constant 32 : index
    %swap3A_277 = vector.load %arg2[%swap3A_275, %swap3A_276] : memref<512x128xf32, #tpu.memory_space<vmem>>, vector<32x32xf32>
    tpu.vector_store %arg2[%swap3A_275, %swap3A_276], %slice3A_274 {strides = array<i32>} : memref<512x128xf32, #tpu.memory_space<vmem>>, vector<32x32xf32>,
    %slice3A_278 = vector.extract_strided_slice %dot_general3A_269 {offsets = [64, 0], sizes = [32, 32], strides = [1, 1]} : vector<128x32xf32> to vector<32x32xf32>
    %swap3A_279 = arith.constant 352 : index
    %swap3A_280 = arith.constant 64 : index
    %swap3A_281 = vector.load %arg2[%swap3A_279, %swap3A_280] : memref<512x128xf32, #tpu.memory_space<vmem>>, vector<32x32xf32>
    tpu.vector_store %arg2[%swap3A_279, %swap3A_280], %slice3A_278 {strides = array<i32>} : memref<512x128xf32, #tpu.memory_space<vmem>>, vector<32x32xf32>,
    %slice3A_282 = vector.extract_strided_slice %dot_general3A_269 {offsets = [96, 0], sizes = [32, 32], strides = [1, 1]} : vector<128x32xf32> to vector<32x32xf32>
    %swap3A_283 = arith.constant 352 : index
    %swap3A_284 = arith.constant 96 : index
    %swap3A_285 = vector.load %arg2[%swap3A_283, %swap3A_284] : memref<512x128xf32, #tpu.memory_space<vmem>>, vector<32x32xf32>
    tpu.vector_store %arg2[%swap3A_283, %swap3A_284], %slice3A_282 {strides = array<i32>} : memref<512x128xf32, #tpu.memory_space<vmem>>, vector<32x32xf32>,
    %slice3A_286 = vector.extract_strided_slice %reshape3A {offsets = [0, 12, 0], sizes = [32, 1, 128], strides = [1, 1, 1]} : vector<32x16x128xf32> to vector<32x1x128xf32>
    %squeeze3A_287 = vector.shape_cast %slice3A_286 : vector<32x1x128xf32> to vector<32x128xf32>
    %dot_general3A_288 = arith.constant dense<0.000000e+00> : vector<128x32xf32>
    %dot_general3A_289 = tpu.matmul %convert_element_type3A_49, %squeeze3A_287, %dot_general3A_288 {dimension_numbers = #tpu.dot_dimension_numbers<[1], [1], [0], [0], [0, 0, 1, 0], [], []>, transpose_lhs_hint = false} : vector<128x128xf32>, vector<32x128xf32>, vector<128x32xf32> -> vector<128x32xf32>
    %slice3A_290 = vector.extract_strided_slice %dot_general3A_289 {offsets = [0, 0], sizes = [32, 32], strides = [1, 1]} : vector<128x32xf32> to vector<32x32xf32>
    %swap3A_291 = arith.constant 384 : index
    %swap3A_292 = arith.constant 0 : index
    %swap3A_293 = vector.load %arg2[%swap3A_291, %swap3A_292] : memref<512x128xf32, #tpu.memory_space<vmem>>, vector<32x32xf32>
    tpu.vector_store %arg2[%swap3A_291, %swap3A_292], %slice3A_290 {strides = array<i32>} : memref<512x128xf32, #tpu.memory_space<vmem>>, vector<32x32xf32>,
    %slice3A_294 = vector.extract_strided_slice %dot_general3A_289 {offsets = [32, 0], sizes = [32, 32], strides = [1, 1]} : vector<128x32xf32> to vector<32x32xf32>
    %swap3A_295 = arith.constant 384 : index
    %swap3A_296 = arith.constant 32 : index
    %swap3A_297 = vector.load %arg2[%swap3A_295, %swap3A_296] : memref<512x128xf32, #tpu.memory_space<vmem>>, vector<32x32xf32>
    tpu.vector_store %arg2[%swap3A_295, %swap3A_296], %slice3A_294 {strides = array<i32>} : memref<512x128xf32, #tpu.memory_space<vmem>>, vector<32x32xf32>,
    %slice3A_298 = vector.extract_strided_slice %dot_general3A_289 {offsets = [64, 0], sizes = [32, 32], strides = [1, 1]} : vector<128x32xf32> to vector<32x32xf32>
    %swap3A_299 = arith.constant 384 : index
    %swap3A_300 = arith.constant 64 : index
    %swap3A_301 = vector.load %arg2[%swap3A_299, %swap3A_300] : memref<512x128xf32, #tpu.memory_space<vmem>>, vector<32x32xf32>
    tpu.vector_store %arg2[%swap3A_299, %swap3A_300], %slice3A_298 {strides = array<i32>} : memref<512x128xf32, #tpu.memory_space<vmem>>, vector<32x32xf32>,
    %slice3A_302 = vector.extract_strided_slice %dot_general3A_289 {offsets = [96, 0], sizes = [32, 32], strides = [1, 1]} : vector<128x32xf32> to vector<32x32xf32>
    %swap3A_303 = arith.constant 384 : index
    %swap3A_304 = arith.constant 96 : index
    %swap3A_305 = vector.load %arg2[%swap3A_303, %swap3A_304] : memref<512x128xf32, #tpu.memory_space<vmem>>, vector<32x32xf32>
    tpu.vector_store %arg2[%swap3A_303, %swap3A_304], %slice3A_302 {strides = array<i32>} : memref<512x128xf32, #tpu.memory_space<vmem>>, vector<32x32xf32>,
    %slice3A_306 = vector.extract_strided_slice %reshape3A {offsets = [0, 13, 0], sizes = [32, 1, 128], strides = [1, 1, 1]} : vector<32x16x128xf32> to vector<32x1x128xf32>
    %squeeze3A_307 = vector.shape_cast %slice3A_306 : vector<32x1x128xf32> to vector<32x128xf32>
    %dot_general3A_308 = arith.constant dense<0.000000e+00> : vector<128x32xf32>
    %dot_general3A_309 = tpu.matmul %convert_element_type3A_49, %squeeze3A_307, %dot_general3A_308 {dimension_numbers = #tpu.dot_dimension_numbers<[1], [1], [0], [0], [0, 0, 1, 0], [], []>, transpose_lhs_hint = false} : vector<128x128xf32>, vector<32x128xf32>, vector<128x32xf32> -> vector<128x32xf32>
    %slice3A_310 = vector.extract_strided_slice %dot_general3A_309 {offsets = [0, 0], sizes = [32, 32], strides = [1, 1]} : vector<128x32xf32> to vector<32x32xf32>
    %swap3A_311 = arith.constant 416 : index
    %swap3A_312 = arith.constant 0 : index
    %swap3A_313 = vector.load %arg2[%swap3A_311, %swap3A_312] : memref<512x128xf32, #tpu.memory_space<vmem>>, vector<32x32xf32>
    tpu.vector_store %arg2[%swap3A_311, %swap3A_312], %slice3A_310 {strides = array<i32>} : memref<512x128xf32, #tpu.memory_space<vmem>>, vector<32x32xf32>,
    %slice3A_314 = vector.extract_strided_slice %dot_general3A_309 {offsets = [32, 0], sizes = [32, 32], strides = [1, 1]} : vector<128x32xf32> to vector<32x32xf32>
    %swap3A_315 = arith.constant 416 : index
    %swap3A_316 = arith.constant 32 : index
    %swap3A_317 = vector.load %arg2[%swap3A_315, %swap3A_316] : memref<512x128xf32, #tpu.memory_space<vmem>>, vector<32x32xf32>
    tpu.vector_store %arg2[%swap3A_315, %swap3A_316], %slice3A_314 {strides = array<i32>} : memref<512x128xf32, #tpu.memory_space<vmem>>, vector<32x32xf32>,
    %slice3A_318 = vector.extract_strided_slice %dot_general3A_309 {offsets = [64, 0], sizes = [32, 32], strides = [1, 1]} : vector<128x32xf32> to vector<32x32xf32>
    %swap3A_319 = arith.constant 416 : index
    %swap3A_320 = arith.constant 64 : index
    %swap3A_321 = vector.load %arg2[%swap3A_319, %swap3A_320] : memref<512x128xf32, #tpu.memory_space<vmem>>, vector<32x32xf32>
    tpu.vector_store %arg2[%swap3A_319, %swap3A_320], %slice3A_318 {strides = array<i32>} : memref<512x128xf32, #tpu.memory_space<vmem>>, vector<32x32xf32>,
    %slice3A_322 = vector.extract_strided_slice %dot_general3A_309 {offsets = [96, 0], sizes = [32, 32], strides = [1, 1]} : vector<128x32xf32> to vector<32x32xf32>
    %swap3A_323 = arith.constant 416 : index
    %swap3A_324 = arith.constant 96 : index
    %swap3A_325 = vector.load %arg2[%swap3A_323, %swap3A_324] : memref<512x128xf32, #tpu.memory_space<vmem>>, vector<32x32xf32>
    tpu.vector_store %arg2[%swap3A_323, %swap3A_324], %slice3A_322 {strides = array<i32>} : memref<512x128xf32, #tpu.memory_space<vmem>>, vector<32x32xf32>,
    %slice3A_326 = vector.extract_strided_slice %reshape3A {offsets = [0, 14, 0], sizes = [32, 1, 128], strides = [1, 1, 1]} : vector<32x16x128xf32> to vector<32x1x128xf32>
    %squeeze3A_327 = vector.shape_cast %slice3A_326 : vector<32x1x128xf32> to vector<32x128xf32>
    %dot_general3A_328 = arith.constant dense<0.000000e+00> : vector<128x32xf32>
    %dot_general3A_329 = tpu.matmul %convert_element_type3A_49, %squeeze3A_327, %dot_general3A_328 {dimension_numbers = #tpu.dot_dimension_numbers<[1], [1], [0], [0], [0, 0, 1, 0], [], []>, transpose_lhs_hint = false} : vector<128x128xf32>, vector<32x128xf32>, vector<128x32xf32> -> vector<128x32xf32>
    %slice3A_330 = vector.extract_strided_slice %dot_general3A_329 {offsets = [0, 0], sizes = [32, 32], strides = [1, 1]} : vector<128x32xf32> to vector<32x32xf32>
    %swap3A_331 = arith.constant 448 : index
    %swap3A_332 = arith.constant 0 : index
    %swap3A_333 = vector.load %arg2[%swap3A_331, %swap3A_332] : memref<512x128xf32, #tpu.memory_space<vmem>>, vector<32x32xf32>
    tpu.vector_store %arg2[%swap3A_331, %swap3A_332], %slice3A_330 {strides = array<i32>} : memref<512x128xf32, #tpu.memory_space<vmem>>, vector<32x32xf32>,
    %slice3A_334 = vector.extract_strided_slice %dot_general3A_329 {offsets = [32, 0], sizes = [32, 32], strides = [1, 1]} : vector<128x32xf32> to vector<32x32xf32>
    %swap3A_335 = arith.constant 448 : index
    %swap3A_336 = arith.constant 32 : index
    %swap3A_337 = vector.load %arg2[%swap3A_335, %swap3A_336] : memref<512x128xf32, #tpu.memory_space<vmem>>, vector<32x32xf32>
    tpu.vector_store %arg2[%swap3A_335, %swap3A_336], %slice3A_334 {strides = array<i32>} : memref<512x128xf32, #tpu.memory_space<vmem>>, vector<32x32xf32>,
    %slice3A_338 = vector.extract_strided_slice %dot_general3A_329 {offsets = [64, 0], sizes = [32, 32], strides = [1, 1]} : vector<128x32xf32> to vector<32x32xf32>
    %swap3A_339 = arith.constant 448 : index
    %swap3A_340 = arith.constant 64 : index
    %swap3A_341 = vector.load %arg2[%swap3A_339, %swap3A_340] : memref<512x128xf32, #tpu.memory_space<vmem>>, vector<32x32xf32>
    tpu.vector_store %arg2[%swap3A_339, %swap3A_340], %slice3A_338 {strides = array<i32>} : memref<512x128xf32, #tpu.memory_space<vmem>>, vector<32x32xf32>,
    %slice3A_342 = vector.extract_strided_slice %dot_general3A_329 {offsets = [96, 0], sizes = [32, 32], strides = [1, 1]} : vector<128x32xf32> to vector<32x32xf32>
    %swap3A_343 = arith.constant 448 : index
    %swap3A_344 = arith.constant 96 : index
    %swap3A_345 = vector.load %arg2[%swap3A_343, %swap3A_344] : memref<512x128xf32, #tpu.memory_space<vmem>>, vector<32x32xf32>
    tpu.vector_store %arg2[%swap3A_343, %swap3A_344], %slice3A_342 {strides = array<i32>} : memref<512x128xf32, #tpu.memory_space<vmem>>, vector<32x32xf32>,
    %slice3A_346 = vector.extract_strided_slice %reshape3A {offsets = [0, 15, 0], sizes = [32, 1, 128], strides = [1, 1, 1]} : vector<32x16x128xf32> to vector<32x1x128xf32>
    %squeeze3A_347 = vector.shape_cast %slice3A_346 : vector<32x1x128xf32> to vector<32x128xf32>
    %dot_general3A_348 = arith.constant dense<0.000000e+00> : vector<128x32xf32>
    %dot_general3A_349 = tpu.matmul %convert_element_type3A_49, %squeeze3A_347, %dot_general3A_348 {dimension_numbers = #tpu.dot_dimension_numbers<[1], [1], [0], [0], [0, 0, 1, 0], [], []>, transpose_lhs_hint = false} : vector<128x128xf32>, vector<32x128xf32>, vector<128x32xf32> -> vector<128x32xf32>
    %slice3A_350 = vector.extract_strided_slice %dot_general3A_349 {offsets = [0, 0], sizes = [32, 32], strides = [1, 1]} : vector<128x32xf32> to vector<32x32xf32>
    %swap3A_351 = arith.constant 480 : index
    %swap3A_352 = arith.constant 0 : index
    %swap3A_353 = vector.load %arg2[%swap3A_351, %swap3A_352] : memref<512x128xf32, #tpu.memory_space<vmem>>, vector<32x32xf32>
    tpu.vector_store %arg2[%swap3A_351, %swap3A_352], %slice3A_350 {strides = array<i32>} : memref<512x128xf32, #tpu.memory_space<vmem>>, vector<32x32xf32>,
    %slice3A_354 = vector.extract_strided_slice %dot_general3A_349 {offsets = [32, 0], sizes = [32, 32], strides = [1, 1]} : vector<128x32xf32> to vector<32x32xf32>
    %swap3A_355 = arith.constant 480 : index
    %swap3A_356 = arith.constant 32 : index
    %swap3A_357 = vector.load %arg2[%swap3A_355, %swap3A_356] : memref<512x128xf32, #tpu.memory_space<vmem>>, vector<32x32xf32>
    tpu.vector_store %arg2[%swap3A_355, %swap3A_356], %slice3A_354 {strides = array<i32>} : memref<512x128xf32, #tpu.memory_space<vmem>>, vector<32x32xf32>,
    %slice3A_358 = vector.extract_strided_slice %dot_general3A_349 {offsets = [64, 0], sizes = [32, 32], strides = [1, 1]} : vector<128x32xf32> to vector<32x32xf32>
    %swap3A_359 = arith.constant 480 : index
    %swap3A_360 = arith.constant 64 : index
    %swap3A_361 = vector.load %arg2[%swap3A_359, %swap3A_360] : memref<512x128xf32, #tpu.memory_space<vmem>>, vector<32x32xf32>
    tpu.vector_store %arg2[%swap3A_359, %swap3A_360], %slice3A_358 {strides = array<i32>} : memref<512x128xf32, #tpu.memory_space<vmem>>, vector<32x32xf32>,
    %slice3A_362 = vector.extract_strided_slice %dot_general3A_349 {offsets = [96, 0], sizes = [32, 32], strides = [1, 1]} : vector<128x32xf32> to vector<32x32xf32>
    %swap3A_363 = arith.constant 480 : index
    %swap3A_364 = arith.constant 96 : index
    %swap3A_365 = vector.load %arg2[%swap3A_363, %swap3A_364] : memref<512x128xf32, #tpu.memory_space<vmem>>, vector<32x32xf32>
    tpu.vector_store %arg2[%swap3A_363, %swap3A_364], %slice3A_362 {strides = array<i32>} : memref<512x128xf32, #tpu.memory_space<vmem>>, vector<32x32xf32>,
    return
  }
  func.func @transform_0(%arg0: i32) -> (i32, i32) {
    %c0_i32 = arith.constant 0 : i32
    %c0_i32_0 = arith.constant 0 : i32
    return %c0_i32, %arg0 : i32, i32
  }
  func.func @transform_1(%arg0: i32) -> (i32, i32) {
    %c0_i32 = arith.constant 0 : i32
    %c0_i32_0 = arith.constant 0 : i32
    return %arg0, %c0_i32 : i32, i32
  }
}

module attributes {stable_mosaic.version = 14 : i64} {
  func.func @body(%arg0: i32, %arg1: memref<6400x128xf32, #tpu.memory_space<vmem>>, %arg2: memref<6400x128xf32, #tpu.memory_space<vmem>>) attributes {dimension_semantics = [#tpu.dimension_semantics<arbitrary>], iteration_bounds = array<i64: 32>, scalar_prefetch = 0 : i64, scratch_operands = 0 : i64, tpu.core_type = #tpu.core_type<tc>, window_params = [{transform_indices = @transform_0, window_bounds = array<i64: 6400, 128>}, {transform_indices = @transform_1, window_bounds = array<i64: 6400, 128>}]} {
    %get3A = arith.constant 0 : index
    %get3A_0 = arith.constant 0 : index
    %get3A_1 = vector.load %arg1[%get3A, %get3A_0] : memref<6400x128xf32, #tpu.memory_space<vmem>>, vector<6400x128xf32>
    %reshape3A = vector.shape_cast %get3A_1 : vector<6400x128xf32> to vector<128x50x128xf32>
    %slice3A = vector.extract_strided_slice %reshape3A {offsets = [0, 0, 0], sizes = [128, 1, 128], strides = [1, 1, 1]} : vector<128x50x128xf32> to vector<128x1x128xf32>
    %squeeze3A = vector.shape_cast %slice3A : vector<128x1x128xf32> to vector<128x128xf32>
    %transpose3A = tpu.transpose %squeeze3A, [1, 0] : vector<128x128xf32> -> vector<128x128xf32>
    %swap3A = arith.constant 0 : index
    %swap3A_2 = arith.constant 0 : index
    %swap3A_3 = vector.load %arg2[%swap3A, %swap3A_2] : memref<6400x128xf32, #tpu.memory_space<vmem>>, vector<128x128xf32>
    tpu.vector_store %arg2[%swap3A, %swap3A_2], %transpose3A {strides = array<i32>} : memref<6400x128xf32, #tpu.memory_space<vmem>>, vector<128x128xf32>,
    %slice3A_4 = vector.extract_strided_slice %reshape3A {offsets = [0, 1, 0], sizes = [128, 1, 128], strides = [1, 1, 1]} : vector<128x50x128xf32> to vector<128x1x128xf32>
    %squeeze3A_5 = vector.shape_cast %slice3A_4 : vector<128x1x128xf32> to vector<128x128xf32>
    %transpose3A_6 = tpu.transpose %squeeze3A_5, [1, 0] : vector<128x128xf32> -> vector<128x128xf32>
    %swap3A_7 = arith.constant 128 : index
    %swap3A_8 = arith.constant 0 : index
    %swap3A_9 = vector.load %arg2[%swap3A_7, %swap3A_8] : memref<6400x128xf32, #tpu.memory_space<vmem>>, vector<128x128xf32>
    tpu.vector_store %arg2[%swap3A_7, %swap3A_8], %transpose3A_6 {strides = array<i32>} : memref<6400x128xf32, #tpu.memory_space<vmem>>, vector<128x128xf32>,
    %slice3A_10 = vector.extract_strided_slice %reshape3A {offsets = [0, 2, 0], sizes = [128, 1, 128], strides = [1, 1, 1]} : vector<128x50x128xf32> to vector<128x1x128xf32>
    %squeeze3A_11 = vector.shape_cast %slice3A_10 : vector<128x1x128xf32> to vector<128x128xf32>
    %transpose3A_12 = tpu.transpose %squeeze3A_11, [1, 0] : vector<128x128xf32> -> vector<128x128xf32>
    %swap3A_13 = arith.constant 256 : index
    %swap3A_14 = arith.constant 0 : index
    %swap3A_15 = vector.load %arg2[%swap3A_13, %swap3A_14] : memref<6400x128xf32, #tpu.memory_space<vmem>>, vector<128x128xf32>
    tpu.vector_store %arg2[%swap3A_13, %swap3A_14], %transpose3A_12 {strides = array<i32>} : memref<6400x128xf32, #tpu.memory_space<vmem>>, vector<128x128xf32>,
    %slice3A_16 = vector.extract_strided_slice %reshape3A {offsets = [0, 3, 0], sizes = [128, 1, 128], strides = [1, 1, 1]} : vector<128x50x128xf32> to vector<128x1x128xf32>
    %squeeze3A_17 = vector.shape_cast %slice3A_16 : vector<128x1x128xf32> to vector<128x128xf32>
    %transpose3A_18 = tpu.transpose %squeeze3A_17, [1, 0] : vector<128x128xf32> -> vector<128x128xf32>
    %swap3A_19 = arith.constant 384 : index
    %swap3A_20 = arith.constant 0 : index
    %swap3A_21 = vector.load %arg2[%swap3A_19, %swap3A_20] : memref<6400x128xf32, #tpu.memory_space<vmem>>, vector<128x128xf32>
    tpu.vector_store %arg2[%swap3A_19, %swap3A_20], %transpose3A_18 {strides = array<i32>} : memref<6400x128xf32, #tpu.memory_space<vmem>>, vector<128x128xf32>,
    %slice3A_22 = vector.extract_strided_slice %reshape3A {offsets = [0, 4, 0], sizes = [128, 1, 128], strides = [1, 1, 1]} : vector<128x50x128xf32> to vector<128x1x128xf32>
    %squeeze3A_23 = vector.shape_cast %slice3A_22 : vector<128x1x128xf32> to vector<128x128xf32>
    %transpose3A_24 = tpu.transpose %squeeze3A_23, [1, 0] : vector<128x128xf32> -> vector<128x128xf32>
    %swap3A_25 = arith.constant 512 : index
    %swap3A_26 = arith.constant 0 : index
    %swap3A_27 = vector.load %arg2[%swap3A_25, %swap3A_26] : memref<6400x128xf32, #tpu.memory_space<vmem>>, vector<128x128xf32>
    tpu.vector_store %arg2[%swap3A_25, %swap3A_26], %transpose3A_24 {strides = array<i32>} : memref<6400x128xf32, #tpu.memory_space<vmem>>, vector<128x128xf32>,
    %slice3A_28 = vector.extract_strided_slice %reshape3A {offsets = [0, 5, 0], sizes = [128, 1, 128], strides = [1, 1, 1]} : vector<128x50x128xf32> to vector<128x1x128xf32>
    %squeeze3A_29 = vector.shape_cast %slice3A_28 : vector<128x1x128xf32> to vector<128x128xf32>
    %transpose3A_30 = tpu.transpose %squeeze3A_29, [1, 0] : vector<128x128xf32> -> vector<128x128xf32>
    %swap3A_31 = arith.constant 640 : index
    %swap3A_32 = arith.constant 0 : index
    %swap3A_33 = vector.load %arg2[%swap3A_31, %swap3A_32] : memref<6400x128xf32, #tpu.memory_space<vmem>>, vector<128x128xf32>
    tpu.vector_store %arg2[%swap3A_31, %swap3A_32], %transpose3A_30 {strides = array<i32>} : memref<6400x128xf32, #tpu.memory_space<vmem>>, vector<128x128xf32>,
    %slice3A_34 = vector.extract_strided_slice %reshape3A {offsets = [0, 6, 0], sizes = [128, 1, 128], strides = [1, 1, 1]} : vector<128x50x128xf32> to vector<128x1x128xf32>
    %squeeze3A_35 = vector.shape_cast %slice3A_34 : vector<128x1x128xf32> to vector<128x128xf32>
    %transpose3A_36 = tpu.transpose %squeeze3A_35, [1, 0] : vector<128x128xf32> -> vector<128x128xf32>
    %swap3A_37 = arith.constant 768 : index
    %swap3A_38 = arith.constant 0 : index
    %swap3A_39 = vector.load %arg2[%swap3A_37, %swap3A_38] : memref<6400x128xf32, #tpu.memory_space<vmem>>, vector<128x128xf32>
    tpu.vector_store %arg2[%swap3A_37, %swap3A_38], %transpose3A_36 {strides = array<i32>} : memref<6400x128xf32, #tpu.memory_space<vmem>>, vector<128x128xf32>,
    %slice3A_40 = vector.extract_strided_slice %reshape3A {offsets = [0, 7, 0], sizes = [128, 1, 128], strides = [1, 1, 1]} : vector<128x50x128xf32> to vector<128x1x128xf32>
    %squeeze3A_41 = vector.shape_cast %slice3A_40 : vector<128x1x128xf32> to vector<128x128xf32>
    %transpose3A_42 = tpu.transpose %squeeze3A_41, [1, 0] : vector<128x128xf32> -> vector<128x128xf32>
    %swap3A_43 = arith.constant 896 : index
    %swap3A_44 = arith.constant 0 : index
    %swap3A_45 = vector.load %arg2[%swap3A_43, %swap3A_44] : memref<6400x128xf32, #tpu.memory_space<vmem>>, vector<128x128xf32>
    tpu.vector_store %arg2[%swap3A_43, %swap3A_44], %transpose3A_42 {strides = array<i32>} : memref<6400x128xf32, #tpu.memory_space<vmem>>, vector<128x128xf32>,
    %slice3A_46 = vector.extract_strided_slice %reshape3A {offsets = [0, 8, 0], sizes = [128, 1, 128], strides = [1, 1, 1]} : vector<128x50x128xf32> to vector<128x1x128xf32>
    %squeeze3A_47 = vector.shape_cast %slice3A_46 : vector<128x1x128xf32> to vector<128x128xf32>
    %transpose3A_48 = tpu.transpose %squeeze3A_47, [1, 0] : vector<128x128xf32> -> vector<128x128xf32>
    %swap3A_49 = arith.constant 1024 : index
    %swap3A_50 = arith.constant 0 : index
    %swap3A_51 = vector.load %arg2[%swap3A_49, %swap3A_50] : memref<6400x128xf32, #tpu.memory_space<vmem>>, vector<128x128xf32>
    tpu.vector_store %arg2[%swap3A_49, %swap3A_50], %transpose3A_48 {strides = array<i32>} : memref<6400x128xf32, #tpu.memory_space<vmem>>, vector<128x128xf32>,
    %slice3A_52 = vector.extract_strided_slice %reshape3A {offsets = [0, 9, 0], sizes = [128, 1, 128], strides = [1, 1, 1]} : vector<128x50x128xf32> to vector<128x1x128xf32>
    %squeeze3A_53 = vector.shape_cast %slice3A_52 : vector<128x1x128xf32> to vector<128x128xf32>
    %transpose3A_54 = tpu.transpose %squeeze3A_53, [1, 0] : vector<128x128xf32> -> vector<128x128xf32>
    %swap3A_55 = arith.constant 1152 : index
    %swap3A_56 = arith.constant 0 : index
    %swap3A_57 = vector.load %arg2[%swap3A_55, %swap3A_56] : memref<6400x128xf32, #tpu.memory_space<vmem>>, vector<128x128xf32>
    tpu.vector_store %arg2[%swap3A_55, %swap3A_56], %transpose3A_54 {strides = array<i32>} : memref<6400x128xf32, #tpu.memory_space<vmem>>, vector<128x128xf32>,
    %slice3A_58 = vector.extract_strided_slice %reshape3A {offsets = [0, 10, 0], sizes = [128, 1, 128], strides = [1, 1, 1]} : vector<128x50x128xf32> to vector<128x1x128xf32>
    %squeeze3A_59 = vector.shape_cast %slice3A_58 : vector<128x1x128xf32> to vector<128x128xf32>
    %transpose3A_60 = tpu.transpose %squeeze3A_59, [1, 0] : vector<128x128xf32> -> vector<128x128xf32>
    %swap3A_61 = arith.constant 1280 : index
    %swap3A_62 = arith.constant 0 : index
    %swap3A_63 = vector.load %arg2[%swap3A_61, %swap3A_62] : memref<6400x128xf32, #tpu.memory_space<vmem>>, vector<128x128xf32>
    tpu.vector_store %arg2[%swap3A_61, %swap3A_62], %transpose3A_60 {strides = array<i32>} : memref<6400x128xf32, #tpu.memory_space<vmem>>, vector<128x128xf32>,
    %slice3A_64 = vector.extract_strided_slice %reshape3A {offsets = [0, 11, 0], sizes = [128, 1, 128], strides = [1, 1, 1]} : vector<128x50x128xf32> to vector<128x1x128xf32>
    %squeeze3A_65 = vector.shape_cast %slice3A_64 : vector<128x1x128xf32> to vector<128x128xf32>
    %transpose3A_66 = tpu.transpose %squeeze3A_65, [1, 0] : vector<128x128xf32> -> vector<128x128xf32>
    %swap3A_67 = arith.constant 1408 : index
    %swap3A_68 = arith.constant 0 : index
    %swap3A_69 = vector.load %arg2[%swap3A_67, %swap3A_68] : memref<6400x128xf32, #tpu.memory_space<vmem>>, vector<128x128xf32>
    tpu.vector_store %arg2[%swap3A_67, %swap3A_68], %transpose3A_66 {strides = array<i32>} : memref<6400x128xf32, #tpu.memory_space<vmem>>, vector<128x128xf32>,
    %slice3A_70 = vector.extract_strided_slice %reshape3A {offsets = [0, 12, 0], sizes = [128, 1, 128], strides = [1, 1, 1]} : vector<128x50x128xf32> to vector<128x1x128xf32>
    %squeeze3A_71 = vector.shape_cast %slice3A_70 : vector<128x1x128xf32> to vector<128x128xf32>
    %transpose3A_72 = tpu.transpose %squeeze3A_71, [1, 0] : vector<128x128xf32> -> vector<128x128xf32>
    %swap3A_73 = arith.constant 1536 : index
    %swap3A_74 = arith.constant 0 : index
    %swap3A_75 = vector.load %arg2[%swap3A_73, %swap3A_74] : memref<6400x128xf32, #tpu.memory_space<vmem>>, vector<128x128xf32>
    tpu.vector_store %arg2[%swap3A_73, %swap3A_74], %transpose3A_72 {strides = array<i32>} : memref<6400x128xf32, #tpu.memory_space<vmem>>, vector<128x128xf32>,
    %slice3A_76 = vector.extract_strided_slice %reshape3A {offsets = [0, 13, 0], sizes = [128, 1, 128], strides = [1, 1, 1]} : vector<128x50x128xf32> to vector<128x1x128xf32>
    %squeeze3A_77 = vector.shape_cast %slice3A_76 : vector<128x1x128xf32> to vector<128x128xf32>
    %transpose3A_78 = tpu.transpose %squeeze3A_77, [1, 0] : vector<128x128xf32> -> vector<128x128xf32>
    %swap3A_79 = arith.constant 1664 : index
    %swap3A_80 = arith.constant 0 : index
    %swap3A_81 = vector.load %arg2[%swap3A_79, %swap3A_80] : memref<6400x128xf32, #tpu.memory_space<vmem>>, vector<128x128xf32>
    tpu.vector_store %arg2[%swap3A_79, %swap3A_80], %transpose3A_78 {strides = array<i32>} : memref<6400x128xf32, #tpu.memory_space<vmem>>, vector<128x128xf32>,
    %slice3A_82 = vector.extract_strided_slice %reshape3A {offsets = [0, 14, 0], sizes = [128, 1, 128], strides = [1, 1, 1]} : vector<128x50x128xf32> to vector<128x1x128xf32>
    %squeeze3A_83 = vector.shape_cast %slice3A_82 : vector<128x1x128xf32> to vector<128x128xf32>
    %transpose3A_84 = tpu.transpose %squeeze3A_83, [1, 0] : vector<128x128xf32> -> vector<128x128xf32>
    %swap3A_85 = arith.constant 1792 : index
    %swap3A_86 = arith.constant 0 : index
    %swap3A_87 = vector.load %arg2[%swap3A_85, %swap3A_86] : memref<6400x128xf32, #tpu.memory_space<vmem>>, vector<128x128xf32>
    tpu.vector_store %arg2[%swap3A_85, %swap3A_86], %transpose3A_84 {strides = array<i32>} : memref<6400x128xf32, #tpu.memory_space<vmem>>, vector<128x128xf32>,
    %slice3A_88 = vector.extract_strided_slice %reshape3A {offsets = [0, 15, 0], sizes = [128, 1, 128], strides = [1, 1, 1]} : vector<128x50x128xf32> to vector<128x1x128xf32>
    %squeeze3A_89 = vector.shape_cast %slice3A_88 : vector<128x1x128xf32> to vector<128x128xf32>
    %transpose3A_90 = tpu.transpose %squeeze3A_89, [1, 0] : vector<128x128xf32> -> vector<128x128xf32>
    %swap3A_91 = arith.constant 1920 : index
    %swap3A_92 = arith.constant 0 : index
    %swap3A_93 = vector.load %arg2[%swap3A_91, %swap3A_92] : memref<6400x128xf32, #tpu.memory_space<vmem>>, vector<128x128xf32>
    tpu.vector_store %arg2[%swap3A_91, %swap3A_92], %transpose3A_90 {strides = array<i32>} : memref<6400x128xf32, #tpu.memory_space<vmem>>, vector<128x128xf32>,
    %slice3A_94 = vector.extract_strided_slice %reshape3A {offsets = [0, 16, 0], sizes = [128, 1, 128], strides = [1, 1, 1]} : vector<128x50x128xf32> to vector<128x1x128xf32>
    %squeeze3A_95 = vector.shape_cast %slice3A_94 : vector<128x1x128xf32> to vector<128x128xf32>
    %transpose3A_96 = tpu.transpose %squeeze3A_95, [1, 0] : vector<128x128xf32> -> vector<128x128xf32>
    %swap3A_97 = arith.constant 2048 : index
    %swap3A_98 = arith.constant 0 : index
    %swap3A_99 = vector.load %arg2[%swap3A_97, %swap3A_98] : memref<6400x128xf32, #tpu.memory_space<vmem>>, vector<128x128xf32>
    tpu.vector_store %arg2[%swap3A_97, %swap3A_98], %transpose3A_96 {strides = array<i32>} : memref<6400x128xf32, #tpu.memory_space<vmem>>, vector<128x128xf32>,
    %slice3A_100 = vector.extract_strided_slice %reshape3A {offsets = [0, 17, 0], sizes = [128, 1, 128], strides = [1, 1, 1]} : vector<128x50x128xf32> to vector<128x1x128xf32>
    %squeeze3A_101 = vector.shape_cast %slice3A_100 : vector<128x1x128xf32> to vector<128x128xf32>
    %transpose3A_102 = tpu.transpose %squeeze3A_101, [1, 0] : vector<128x128xf32> -> vector<128x128xf32>
    %swap3A_103 = arith.constant 2176 : index
    %swap3A_104 = arith.constant 0 : index
    %swap3A_105 = vector.load %arg2[%swap3A_103, %swap3A_104] : memref<6400x128xf32, #tpu.memory_space<vmem>>, vector<128x128xf32>
    tpu.vector_store %arg2[%swap3A_103, %swap3A_104], %transpose3A_102 {strides = array<i32>} : memref<6400x128xf32, #tpu.memory_space<vmem>>, vector<128x128xf32>,
    %slice3A_106 = vector.extract_strided_slice %reshape3A {offsets = [0, 18, 0], sizes = [128, 1, 128], strides = [1, 1, 1]} : vector<128x50x128xf32> to vector<128x1x128xf32>
    %squeeze3A_107 = vector.shape_cast %slice3A_106 : vector<128x1x128xf32> to vector<128x128xf32>
    %transpose3A_108 = tpu.transpose %squeeze3A_107, [1, 0] : vector<128x128xf32> -> vector<128x128xf32>
    %swap3A_109 = arith.constant 2304 : index
    %swap3A_110 = arith.constant 0 : index
    %swap3A_111 = vector.load %arg2[%swap3A_109, %swap3A_110] : memref<6400x128xf32, #tpu.memory_space<vmem>>, vector<128x128xf32>
    tpu.vector_store %arg2[%swap3A_109, %swap3A_110], %transpose3A_108 {strides = array<i32>} : memref<6400x128xf32, #tpu.memory_space<vmem>>, vector<128x128xf32>,
    %slice3A_112 = vector.extract_strided_slice %reshape3A {offsets = [0, 19, 0], sizes = [128, 1, 128], strides = [1, 1, 1]} : vector<128x50x128xf32> to vector<128x1x128xf32>
    %squeeze3A_113 = vector.shape_cast %slice3A_112 : vector<128x1x128xf32> to vector<128x128xf32>
    %transpose3A_114 = tpu.transpose %squeeze3A_113, [1, 0] : vector<128x128xf32> -> vector<128x128xf32>
    %swap3A_115 = arith.constant 2432 : index
    %swap3A_116 = arith.constant 0 : index
    %swap3A_117 = vector.load %arg2[%swap3A_115, %swap3A_116] : memref<6400x128xf32, #tpu.memory_space<vmem>>, vector<128x128xf32>
    tpu.vector_store %arg2[%swap3A_115, %swap3A_116], %transpose3A_114 {strides = array<i32>} : memref<6400x128xf32, #tpu.memory_space<vmem>>, vector<128x128xf32>,
    %slice3A_118 = vector.extract_strided_slice %reshape3A {offsets = [0, 20, 0], sizes = [128, 1, 128], strides = [1, 1, 1]} : vector<128x50x128xf32> to vector<128x1x128xf32>
    %squeeze3A_119 = vector.shape_cast %slice3A_118 : vector<128x1x128xf32> to vector<128x128xf32>
    %transpose3A_120 = tpu.transpose %squeeze3A_119, [1, 0] : vector<128x128xf32> -> vector<128x128xf32>
    %swap3A_121 = arith.constant 2560 : index
    %swap3A_122 = arith.constant 0 : index
    %swap3A_123 = vector.load %arg2[%swap3A_121, %swap3A_122] : memref<6400x128xf32, #tpu.memory_space<vmem>>, vector<128x128xf32>
    tpu.vector_store %arg2[%swap3A_121, %swap3A_122], %transpose3A_120 {strides = array<i32>} : memref<6400x128xf32, #tpu.memory_space<vmem>>, vector<128x128xf32>,
    %slice3A_124 = vector.extract_strided_slice %reshape3A {offsets = [0, 21, 0], sizes = [128, 1, 128], strides = [1, 1, 1]} : vector<128x50x128xf32> to vector<128x1x128xf32>
    %squeeze3A_125 = vector.shape_cast %slice3A_124 : vector<128x1x128xf32> to vector<128x128xf32>
    %transpose3A_126 = tpu.transpose %squeeze3A_125, [1, 0] : vector<128x128xf32> -> vector<128x128xf32>
    %swap3A_127 = arith.constant 2688 : index
    %swap3A_128 = arith.constant 0 : index
    %swap3A_129 = vector.load %arg2[%swap3A_127, %swap3A_128] : memref<6400x128xf32, #tpu.memory_space<vmem>>, vector<128x128xf32>
    tpu.vector_store %arg2[%swap3A_127, %swap3A_128], %transpose3A_126 {strides = array<i32>} : memref<6400x128xf32, #tpu.memory_space<vmem>>, vector<128x128xf32>,
    %slice3A_130 = vector.extract_strided_slice %reshape3A {offsets = [0, 22, 0], sizes = [128, 1, 128], strides = [1, 1, 1]} : vector<128x50x128xf32> to vector<128x1x128xf32>
    %squeeze3A_131 = vector.shape_cast %slice3A_130 : vector<128x1x128xf32> to vector<128x128xf32>
    %transpose3A_132 = tpu.transpose %squeeze3A_131, [1, 0] : vector<128x128xf32> -> vector<128x128xf32>
    %swap3A_133 = arith.constant 2816 : index
    %swap3A_134 = arith.constant 0 : index
    %swap3A_135 = vector.load %arg2[%swap3A_133, %swap3A_134] : memref<6400x128xf32, #tpu.memory_space<vmem>>, vector<128x128xf32>
    tpu.vector_store %arg2[%swap3A_133, %swap3A_134], %transpose3A_132 {strides = array<i32>} : memref<6400x128xf32, #tpu.memory_space<vmem>>, vector<128x128xf32>,
    %slice3A_136 = vector.extract_strided_slice %reshape3A {offsets = [0, 23, 0], sizes = [128, 1, 128], strides = [1, 1, 1]} : vector<128x50x128xf32> to vector<128x1x128xf32>
    %squeeze3A_137 = vector.shape_cast %slice3A_136 : vector<128x1x128xf32> to vector<128x128xf32>
    %transpose3A_138 = tpu.transpose %squeeze3A_137, [1, 0] : vector<128x128xf32> -> vector<128x128xf32>
    %swap3A_139 = arith.constant 2944 : index
    %swap3A_140 = arith.constant 0 : index
    %swap3A_141 = vector.load %arg2[%swap3A_139, %swap3A_140] : memref<6400x128xf32, #tpu.memory_space<vmem>>, vector<128x128xf32>
    tpu.vector_store %arg2[%swap3A_139, %swap3A_140], %transpose3A_138 {strides = array<i32>} : memref<6400x128xf32, #tpu.memory_space<vmem>>, vector<128x128xf32>,
    %slice3A_142 = vector.extract_strided_slice %reshape3A {offsets = [0, 24, 0], sizes = [128, 1, 128], strides = [1, 1, 1]} : vector<128x50x128xf32> to vector<128x1x128xf32>
    %squeeze3A_143 = vector.shape_cast %slice3A_142 : vector<128x1x128xf32> to vector<128x128xf32>
    %transpose3A_144 = tpu.transpose %squeeze3A_143, [1, 0] : vector<128x128xf32> -> vector<128x128xf32>
    %swap3A_145 = arith.constant 3072 : index
    %swap3A_146 = arith.constant 0 : index
    %swap3A_147 = vector.load %arg2[%swap3A_145, %swap3A_146] : memref<6400x128xf32, #tpu.memory_space<vmem>>, vector<128x128xf32>
    tpu.vector_store %arg2[%swap3A_145, %swap3A_146], %transpose3A_144 {strides = array<i32>} : memref<6400x128xf32, #tpu.memory_space<vmem>>, vector<128x128xf32>,
    %slice3A_148 = vector.extract_strided_slice %reshape3A {offsets = [0, 25, 0], sizes = [128, 1, 128], strides = [1, 1, 1]} : vector<128x50x128xf32> to vector<128x1x128xf32>
    %squeeze3A_149 = vector.shape_cast %slice3A_148 : vector<128x1x128xf32> to vector<128x128xf32>
    %transpose3A_150 = tpu.transpose %squeeze3A_149, [1, 0] : vector<128x128xf32> -> vector<128x128xf32>
    %swap3A_151 = arith.constant 3200 : index
    %swap3A_152 = arith.constant 0 : index
    %swap3A_153 = vector.load %arg2[%swap3A_151, %swap3A_152] : memref<6400x128xf32, #tpu.memory_space<vmem>>, vector<128x128xf32>
    tpu.vector_store %arg2[%swap3A_151, %swap3A_152], %transpose3A_150 {strides = array<i32>} : memref<6400x128xf32, #tpu.memory_space<vmem>>, vector<128x128xf32>,
    %slice3A_154 = vector.extract_strided_slice %reshape3A {offsets = [0, 26, 0], sizes = [128, 1, 128], strides = [1, 1, 1]} : vector<128x50x128xf32> to vector<128x1x128xf32>
    %squeeze3A_155 = vector.shape_cast %slice3A_154 : vector<128x1x128xf32> to vector<128x128xf32>
    %transpose3A_156 = tpu.transpose %squeeze3A_155, [1, 0] : vector<128x128xf32> -> vector<128x128xf32>
    %swap3A_157 = arith.constant 3328 : index
    %swap3A_158 = arith.constant 0 : index
    %swap3A_159 = vector.load %arg2[%swap3A_157, %swap3A_158] : memref<6400x128xf32, #tpu.memory_space<vmem>>, vector<128x128xf32>
    tpu.vector_store %arg2[%swap3A_157, %swap3A_158], %transpose3A_156 {strides = array<i32>} : memref<6400x128xf32, #tpu.memory_space<vmem>>, vector<128x128xf32>,
    %slice3A_160 = vector.extract_strided_slice %reshape3A {offsets = [0, 27, 0], sizes = [128, 1, 128], strides = [1, 1, 1]} : vector<128x50x128xf32> to vector<128x1x128xf32>
    %squeeze3A_161 = vector.shape_cast %slice3A_160 : vector<128x1x128xf32> to vector<128x128xf32>
    %transpose3A_162 = tpu.transpose %squeeze3A_161, [1, 0] : vector<128x128xf32> -> vector<128x128xf32>
    %swap3A_163 = arith.constant 3456 : index
    %swap3A_164 = arith.constant 0 : index
    %swap3A_165 = vector.load %arg2[%swap3A_163, %swap3A_164] : memref<6400x128xf32, #tpu.memory_space<vmem>>, vector<128x128xf32>
    tpu.vector_store %arg2[%swap3A_163, %swap3A_164], %transpose3A_162 {strides = array<i32>} : memref<6400x128xf32, #tpu.memory_space<vmem>>, vector<128x128xf32>,
    %slice3A_166 = vector.extract_strided_slice %reshape3A {offsets = [0, 28, 0], sizes = [128, 1, 128], strides = [1, 1, 1]} : vector<128x50x128xf32> to vector<128x1x128xf32>
    %squeeze3A_167 = vector.shape_cast %slice3A_166 : vector<128x1x128xf32> to vector<128x128xf32>
    %transpose3A_168 = tpu.transpose %squeeze3A_167, [1, 0] : vector<128x128xf32> -> vector<128x128xf32>
    %swap3A_169 = arith.constant 3584 : index
    %swap3A_170 = arith.constant 0 : index
    %swap3A_171 = vector.load %arg2[%swap3A_169, %swap3A_170] : memref<6400x128xf32, #tpu.memory_space<vmem>>, vector<128x128xf32>
    tpu.vector_store %arg2[%swap3A_169, %swap3A_170], %transpose3A_168 {strides = array<i32>} : memref<6400x128xf32, #tpu.memory_space<vmem>>, vector<128x128xf32>,
    %slice3A_172 = vector.extract_strided_slice %reshape3A {offsets = [0, 29, 0], sizes = [128, 1, 128], strides = [1, 1, 1]} : vector<128x50x128xf32> to vector<128x1x128xf32>
    %squeeze3A_173 = vector.shape_cast %slice3A_172 : vector<128x1x128xf32> to vector<128x128xf32>
    %transpose3A_174 = tpu.transpose %squeeze3A_173, [1, 0] : vector<128x128xf32> -> vector<128x128xf32>
    %swap3A_175 = arith.constant 3712 : index
    %swap3A_176 = arith.constant 0 : index
    %swap3A_177 = vector.load %arg2[%swap3A_175, %swap3A_176] : memref<6400x128xf32, #tpu.memory_space<vmem>>, vector<128x128xf32>
    tpu.vector_store %arg2[%swap3A_175, %swap3A_176], %transpose3A_174 {strides = array<i32>} : memref<6400x128xf32, #tpu.memory_space<vmem>>, vector<128x128xf32>,
    %slice3A_178 = vector.extract_strided_slice %reshape3A {offsets = [0, 30, 0], sizes = [128, 1, 128], strides = [1, 1, 1]} : vector<128x50x128xf32> to vector<128x1x128xf32>
    %squeeze3A_179 = vector.shape_cast %slice3A_178 : vector<128x1x128xf32> to vector<128x128xf32>
    %transpose3A_180 = tpu.transpose %squeeze3A_179, [1, 0] : vector<128x128xf32> -> vector<128x128xf32>
    %swap3A_181 = arith.constant 3840 : index
    %swap3A_182 = arith.constant 0 : index
    %swap3A_183 = vector.load %arg2[%swap3A_181, %swap3A_182] : memref<6400x128xf32, #tpu.memory_space<vmem>>, vector<128x128xf32>
    tpu.vector_store %arg2[%swap3A_181, %swap3A_182], %transpose3A_180 {strides = array<i32>} : memref<6400x128xf32, #tpu.memory_space<vmem>>, vector<128x128xf32>,
    %slice3A_184 = vector.extract_strided_slice %reshape3A {offsets = [0, 31, 0], sizes = [128, 1, 128], strides = [1, 1, 1]} : vector<128x50x128xf32> to vector<128x1x128xf32>
    %squeeze3A_185 = vector.shape_cast %slice3A_184 : vector<128x1x128xf32> to vector<128x128xf32>
    %transpose3A_186 = tpu.transpose %squeeze3A_185, [1, 0] : vector<128x128xf32> -> vector<128x128xf32>
    %swap3A_187 = arith.constant 3968 : index
    %swap3A_188 = arith.constant 0 : index
    %swap3A_189 = vector.load %arg2[%swap3A_187, %swap3A_188] : memref<6400x128xf32, #tpu.memory_space<vmem>>, vector<128x128xf32>
    tpu.vector_store %arg2[%swap3A_187, %swap3A_188], %transpose3A_186 {strides = array<i32>} : memref<6400x128xf32, #tpu.memory_space<vmem>>, vector<128x128xf32>,
    %slice3A_190 = vector.extract_strided_slice %reshape3A {offsets = [0, 32, 0], sizes = [128, 1, 128], strides = [1, 1, 1]} : vector<128x50x128xf32> to vector<128x1x128xf32>
    %squeeze3A_191 = vector.shape_cast %slice3A_190 : vector<128x1x128xf32> to vector<128x128xf32>
    %transpose3A_192 = tpu.transpose %squeeze3A_191, [1, 0] : vector<128x128xf32> -> vector<128x128xf32>
    %swap3A_193 = arith.constant 4096 : index
    %swap3A_194 = arith.constant 0 : index
    %swap3A_195 = vector.load %arg2[%swap3A_193, %swap3A_194] : memref<6400x128xf32, #tpu.memory_space<vmem>>, vector<128x128xf32>
    tpu.vector_store %arg2[%swap3A_193, %swap3A_194], %transpose3A_192 {strides = array<i32>} : memref<6400x128xf32, #tpu.memory_space<vmem>>, vector<128x128xf32>,
    %slice3A_196 = vector.extract_strided_slice %reshape3A {offsets = [0, 33, 0], sizes = [128, 1, 128], strides = [1, 1, 1]} : vector<128x50x128xf32> to vector<128x1x128xf32>
    %squeeze3A_197 = vector.shape_cast %slice3A_196 : vector<128x1x128xf32> to vector<128x128xf32>
    %transpose3A_198 = tpu.transpose %squeeze3A_197, [1, 0] : vector<128x128xf32> -> vector<128x128xf32>
    %swap3A_199 = arith.constant 4224 : index
    %swap3A_200 = arith.constant 0 : index
    %swap3A_201 = vector.load %arg2[%swap3A_199, %swap3A_200] : memref<6400x128xf32, #tpu.memory_space<vmem>>, vector<128x128xf32>
    tpu.vector_store %arg2[%swap3A_199, %swap3A_200], %transpose3A_198 {strides = array<i32>} : memref<6400x128xf32, #tpu.memory_space<vmem>>, vector<128x128xf32>,
    %slice3A_202 = vector.extract_strided_slice %reshape3A {offsets = [0, 34, 0], sizes = [128, 1, 128], strides = [1, 1, 1]} : vector<128x50x128xf32> to vector<128x1x128xf32>
    %squeeze3A_203 = vector.shape_cast %slice3A_202 : vector<128x1x128xf32> to vector<128x128xf32>
    %transpose3A_204 = tpu.transpose %squeeze3A_203, [1, 0] : vector<128x128xf32> -> vector<128x128xf32>
    %swap3A_205 = arith.constant 4352 : index
    %swap3A_206 = arith.constant 0 : index
    %swap3A_207 = vector.load %arg2[%swap3A_205, %swap3A_206] : memref<6400x128xf32, #tpu.memory_space<vmem>>, vector<128x128xf32>
    tpu.vector_store %arg2[%swap3A_205, %swap3A_206], %transpose3A_204 {strides = array<i32>} : memref<6400x128xf32, #tpu.memory_space<vmem>>, vector<128x128xf32>,
    %slice3A_208 = vector.extract_strided_slice %reshape3A {offsets = [0, 35, 0], sizes = [128, 1, 128], strides = [1, 1, 1]} : vector<128x50x128xf32> to vector<128x1x128xf32>
    %squeeze3A_209 = vector.shape_cast %slice3A_208 : vector<128x1x128xf32> to vector<128x128xf32>
    %transpose3A_210 = tpu.transpose %squeeze3A_209, [1, 0] : vector<128x128xf32> -> vector<128x128xf32>
    %swap3A_211 = arith.constant 4480 : index
    %swap3A_212 = arith.constant 0 : index
    %swap3A_213 = vector.load %arg2[%swap3A_211, %swap3A_212] : memref<6400x128xf32, #tpu.memory_space<vmem>>, vector<128x128xf32>
    tpu.vector_store %arg2[%swap3A_211, %swap3A_212], %transpose3A_210 {strides = array<i32>} : memref<6400x128xf32, #tpu.memory_space<vmem>>, vector<128x128xf32>,
    %slice3A_214 = vector.extract_strided_slice %reshape3A {offsets = [0, 36, 0], sizes = [128, 1, 128], strides = [1, 1, 1]} : vector<128x50x128xf32> to vector<128x1x128xf32>
    %squeeze3A_215 = vector.shape_cast %slice3A_214 : vector<128x1x128xf32> to vector<128x128xf32>
    %transpose3A_216 = tpu.transpose %squeeze3A_215, [1, 0] : vector<128x128xf32> -> vector<128x128xf32>
    %swap3A_217 = arith.constant 4608 : index
    %swap3A_218 = arith.constant 0 : index
    %swap3A_219 = vector.load %arg2[%swap3A_217, %swap3A_218] : memref<6400x128xf32, #tpu.memory_space<vmem>>, vector<128x128xf32>
    tpu.vector_store %arg2[%swap3A_217, %swap3A_218], %transpose3A_216 {strides = array<i32>} : memref<6400x128xf32, #tpu.memory_space<vmem>>, vector<128x128xf32>,
    %slice3A_220 = vector.extract_strided_slice %reshape3A {offsets = [0, 37, 0], sizes = [128, 1, 128], strides = [1, 1, 1]} : vector<128x50x128xf32> to vector<128x1x128xf32>
    %squeeze3A_221 = vector.shape_cast %slice3A_220 : vector<128x1x128xf32> to vector<128x128xf32>
    %transpose3A_222 = tpu.transpose %squeeze3A_221, [1, 0] : vector<128x128xf32> -> vector<128x128xf32>
    %swap3A_223 = arith.constant 4736 : index
    %swap3A_224 = arith.constant 0 : index
    %swap3A_225 = vector.load %arg2[%swap3A_223, %swap3A_224] : memref<6400x128xf32, #tpu.memory_space<vmem>>, vector<128x128xf32>
    tpu.vector_store %arg2[%swap3A_223, %swap3A_224], %transpose3A_222 {strides = array<i32>} : memref<6400x128xf32, #tpu.memory_space<vmem>>, vector<128x128xf32>,
    %slice3A_226 = vector.extract_strided_slice %reshape3A {offsets = [0, 38, 0], sizes = [128, 1, 128], strides = [1, 1, 1]} : vector<128x50x128xf32> to vector<128x1x128xf32>
    %squeeze3A_227 = vector.shape_cast %slice3A_226 : vector<128x1x128xf32> to vector<128x128xf32>
    %transpose3A_228 = tpu.transpose %squeeze3A_227, [1, 0] : vector<128x128xf32> -> vector<128x128xf32>
    %swap3A_229 = arith.constant 4864 : index
    %swap3A_230 = arith.constant 0 : index
    %swap3A_231 = vector.load %arg2[%swap3A_229, %swap3A_230] : memref<6400x128xf32, #tpu.memory_space<vmem>>, vector<128x128xf32>
    tpu.vector_store %arg2[%swap3A_229, %swap3A_230], %transpose3A_228 {strides = array<i32>} : memref<6400x128xf32, #tpu.memory_space<vmem>>, vector<128x128xf32>,
    %slice3A_232 = vector.extract_strided_slice %reshape3A {offsets = [0, 39, 0], sizes = [128, 1, 128], strides = [1, 1, 1]} : vector<128x50x128xf32> to vector<128x1x128xf32>
    %squeeze3A_233 = vector.shape_cast %slice3A_232 : vector<128x1x128xf32> to vector<128x128xf32>
    %transpose3A_234 = tpu.transpose %squeeze3A_233, [1, 0] : vector<128x128xf32> -> vector<128x128xf32>
    %swap3A_235 = arith.constant 4992 : index
    %swap3A_236 = arith.constant 0 : index
    %swap3A_237 = vector.load %arg2[%swap3A_235, %swap3A_236] : memref<6400x128xf32, #tpu.memory_space<vmem>>, vector<128x128xf32>
    tpu.vector_store %arg2[%swap3A_235, %swap3A_236], %transpose3A_234 {strides = array<i32>} : memref<6400x128xf32, #tpu.memory_space<vmem>>, vector<128x128xf32>,
    %slice3A_238 = vector.extract_strided_slice %reshape3A {offsets = [0, 40, 0], sizes = [128, 1, 128], strides = [1, 1, 1]} : vector<128x50x128xf32> to vector<128x1x128xf32>
    %squeeze3A_239 = vector.shape_cast %slice3A_238 : vector<128x1x128xf32> to vector<128x128xf32>
    %transpose3A_240 = tpu.transpose %squeeze3A_239, [1, 0] : vector<128x128xf32> -> vector<128x128xf32>
    %swap3A_241 = arith.constant 5120 : index
    %swap3A_242 = arith.constant 0 : index
    %swap3A_243 = vector.load %arg2[%swap3A_241, %swap3A_242] : memref<6400x128xf32, #tpu.memory_space<vmem>>, vector<128x128xf32>
    tpu.vector_store %arg2[%swap3A_241, %swap3A_242], %transpose3A_240 {strides = array<i32>} : memref<6400x128xf32, #tpu.memory_space<vmem>>, vector<128x128xf32>,
    %slice3A_244 = vector.extract_strided_slice %reshape3A {offsets = [0, 41, 0], sizes = [128, 1, 128], strides = [1, 1, 1]} : vector<128x50x128xf32> to vector<128x1x128xf32>
    %squeeze3A_245 = vector.shape_cast %slice3A_244 : vector<128x1x128xf32> to vector<128x128xf32>
    %transpose3A_246 = tpu.transpose %squeeze3A_245, [1, 0] : vector<128x128xf32> -> vector<128x128xf32>
    %swap3A_247 = arith.constant 5248 : index
    %swap3A_248 = arith.constant 0 : index
    %swap3A_249 = vector.load %arg2[%swap3A_247, %swap3A_248] : memref<6400x128xf32, #tpu.memory_space<vmem>>, vector<128x128xf32>
    tpu.vector_store %arg2[%swap3A_247, %swap3A_248], %transpose3A_246 {strides = array<i32>} : memref<6400x128xf32, #tpu.memory_space<vmem>>, vector<128x128xf32>,
    %slice3A_250 = vector.extract_strided_slice %reshape3A {offsets = [0, 42, 0], sizes = [128, 1, 128], strides = [1, 1, 1]} : vector<128x50x128xf32> to vector<128x1x128xf32>
    %squeeze3A_251 = vector.shape_cast %slice3A_250 : vector<128x1x128xf32> to vector<128x128xf32>
    %transpose3A_252 = tpu.transpose %squeeze3A_251, [1, 0] : vector<128x128xf32> -> vector<128x128xf32>
    %swap3A_253 = arith.constant 5376 : index
    %swap3A_254 = arith.constant 0 : index
    %swap3A_255 = vector.load %arg2[%swap3A_253, %swap3A_254] : memref<6400x128xf32, #tpu.memory_space<vmem>>, vector<128x128xf32>
    tpu.vector_store %arg2[%swap3A_253, %swap3A_254], %transpose3A_252 {strides = array<i32>} : memref<6400x128xf32, #tpu.memory_space<vmem>>, vector<128x128xf32>,
    %slice3A_256 = vector.extract_strided_slice %reshape3A {offsets = [0, 43, 0], sizes = [128, 1, 128], strides = [1, 1, 1]} : vector<128x50x128xf32> to vector<128x1x128xf32>
    %squeeze3A_257 = vector.shape_cast %slice3A_256 : vector<128x1x128xf32> to vector<128x128xf32>
    %transpose3A_258 = tpu.transpose %squeeze3A_257, [1, 0] : vector<128x128xf32> -> vector<128x128xf32>
    %swap3A_259 = arith.constant 5504 : index
    %swap3A_260 = arith.constant 0 : index
    %swap3A_261 = vector.load %arg2[%swap3A_259, %swap3A_260] : memref<6400x128xf32, #tpu.memory_space<vmem>>, vector<128x128xf32>
    tpu.vector_store %arg2[%swap3A_259, %swap3A_260], %transpose3A_258 {strides = array<i32>} : memref<6400x128xf32, #tpu.memory_space<vmem>>, vector<128x128xf32>,
    %slice3A_262 = vector.extract_strided_slice %reshape3A {offsets = [0, 44, 0], sizes = [128, 1, 128], strides = [1, 1, 1]} : vector<128x50x128xf32> to vector<128x1x128xf32>
    %squeeze3A_263 = vector.shape_cast %slice3A_262 : vector<128x1x128xf32> to vector<128x128xf32>
    %transpose3A_264 = tpu.transpose %squeeze3A_263, [1, 0] : vector<128x128xf32> -> vector<128x128xf32>
    %swap3A_265 = arith.constant 5632 : index
    %swap3A_266 = arith.constant 0 : index
    %swap3A_267 = vector.load %arg2[%swap3A_265, %swap3A_266] : memref<6400x128xf32, #tpu.memory_space<vmem>>, vector<128x128xf32>
    tpu.vector_store %arg2[%swap3A_265, %swap3A_266], %transpose3A_264 {strides = array<i32>} : memref<6400x128xf32, #tpu.memory_space<vmem>>, vector<128x128xf32>,
    %slice3A_268 = vector.extract_strided_slice %reshape3A {offsets = [0, 45, 0], sizes = [128, 1, 128], strides = [1, 1, 1]} : vector<128x50x128xf32> to vector<128x1x128xf32>
    %squeeze3A_269 = vector.shape_cast %slice3A_268 : vector<128x1x128xf32> to vector<128x128xf32>
    %transpose3A_270 = tpu.transpose %squeeze3A_269, [1, 0] : vector<128x128xf32> -> vector<128x128xf32>
    %swap3A_271 = arith.constant 5760 : index
    %swap3A_272 = arith.constant 0 : index
    %swap3A_273 = vector.load %arg2[%swap3A_271, %swap3A_272] : memref<6400x128xf32, #tpu.memory_space<vmem>>, vector<128x128xf32>
    tpu.vector_store %arg2[%swap3A_271, %swap3A_272], %transpose3A_270 {strides = array<i32>} : memref<6400x128xf32, #tpu.memory_space<vmem>>, vector<128x128xf32>,
    %slice3A_274 = vector.extract_strided_slice %reshape3A {offsets = [0, 46, 0], sizes = [128, 1, 128], strides = [1, 1, 1]} : vector<128x50x128xf32> to vector<128x1x128xf32>
    %squeeze3A_275 = vector.shape_cast %slice3A_274 : vector<128x1x128xf32> to vector<128x128xf32>
    %transpose3A_276 = tpu.transpose %squeeze3A_275, [1, 0] : vector<128x128xf32> -> vector<128x128xf32>
    %swap3A_277 = arith.constant 5888 : index
    %swap3A_278 = arith.constant 0 : index
    %swap3A_279 = vector.load %arg2[%swap3A_277, %swap3A_278] : memref<6400x128xf32, #tpu.memory_space<vmem>>, vector<128x128xf32>
    tpu.vector_store %arg2[%swap3A_277, %swap3A_278], %transpose3A_276 {strides = array<i32>} : memref<6400x128xf32, #tpu.memory_space<vmem>>, vector<128x128xf32>,
    %slice3A_280 = vector.extract_strided_slice %reshape3A {offsets = [0, 47, 0], sizes = [128, 1, 128], strides = [1, 1, 1]} : vector<128x50x128xf32> to vector<128x1x128xf32>
    %squeeze3A_281 = vector.shape_cast %slice3A_280 : vector<128x1x128xf32> to vector<128x128xf32>
    %transpose3A_282 = tpu.transpose %squeeze3A_281, [1, 0] : vector<128x128xf32> -> vector<128x128xf32>
    %swap3A_283 = arith.constant 6016 : index
    %swap3A_284 = arith.constant 0 : index
    %swap3A_285 = vector.load %arg2[%swap3A_283, %swap3A_284] : memref<6400x128xf32, #tpu.memory_space<vmem>>, vector<128x128xf32>
    tpu.vector_store %arg2[%swap3A_283, %swap3A_284], %transpose3A_282 {strides = array<i32>} : memref<6400x128xf32, #tpu.memory_space<vmem>>, vector<128x128xf32>,
    %slice3A_286 = vector.extract_strided_slice %reshape3A {offsets = [0, 48, 0], sizes = [128, 1, 128], strides = [1, 1, 1]} : vector<128x50x128xf32> to vector<128x1x128xf32>
    %squeeze3A_287 = vector.shape_cast %slice3A_286 : vector<128x1x128xf32> to vector<128x128xf32>
    %transpose3A_288 = tpu.transpose %squeeze3A_287, [1, 0] : vector<128x128xf32> -> vector<128x128xf32>
    %swap3A_289 = arith.constant 6144 : index
    %swap3A_290 = arith.constant 0 : index
    %swap3A_291 = vector.load %arg2[%swap3A_289, %swap3A_290] : memref<6400x128xf32, #tpu.memory_space<vmem>>, vector<128x128xf32>
    tpu.vector_store %arg2[%swap3A_289, %swap3A_290], %transpose3A_288 {strides = array<i32>} : memref<6400x128xf32, #tpu.memory_space<vmem>>, vector<128x128xf32>,
    %slice3A_292 = vector.extract_strided_slice %reshape3A {offsets = [0, 49, 0], sizes = [128, 1, 128], strides = [1, 1, 1]} : vector<128x50x128xf32> to vector<128x1x128xf32>
    %squeeze3A_293 = vector.shape_cast %slice3A_292 : vector<128x1x128xf32> to vector<128x128xf32>
    %transpose3A_294 = tpu.transpose %squeeze3A_293, [1, 0] : vector<128x128xf32> -> vector<128x128xf32>
    %swap3A_295 = arith.constant 6272 : index
    %swap3A_296 = arith.constant 0 : index
    %swap3A_297 = vector.load %arg2[%swap3A_295, %swap3A_296] : memref<6400x128xf32, #tpu.memory_space<vmem>>, vector<128x128xf32>
    tpu.vector_store %arg2[%swap3A_295, %swap3A_296], %transpose3A_294 {strides = array<i32>} : memref<6400x128xf32, #tpu.memory_space<vmem>>, vector<128x128xf32>,
    return
  }
  func.func @transform_0(%arg0: i32) -> (i32, i32) {
    %c0_i32 = arith.constant 0 : i32
    %c0_i32_0 = arith.constant 0 : i32
    return %arg0, %c0_i32 : i32, i32
  }
  func.func @transform_1(%arg0: i32) -> (i32, i32) {
    %c0_i32 = arith.constant 0 : i32
    %c0_i32_0 = arith.constant 0 : i32
    return %c0_i32, %arg0 : i32, i32
  }
}

</mosaic_0001>

<sc_bundles>
// kernel: kernel.5.cloned.1.call-start
scs
__scs_entry_jumppad:
0x0: {  	(pc) =	sbr.rel $0x88, $3  }
0x1: {  	(tag) =	ssettag $0x0;
	lr =	simm.s32 $0x1  }
0x2: {  	[smem:$0x3F9E] =	sst lr;
	_ =	strace $0xD0000000  }
0x3: {  	_ = 	snop  }
0x4: {  	_ = 	snop  }
0x5: {  	_ = 	snop  }
0x6: {  	_ = 	snop  }
0x7: {  	_ = 	snop  }
__scs_overlays_trampoline_lowered:
0x8: {  	[smem:$0x3FAD] =	sst s0  }
0x9: {  	[smem:$0x3FAE] =	sst s1  }
0xa: {  	[smem:$0x3FAF] =	sst s2  }
0xb: {  	[smem:$0x3FB0] =	sst s3  }
0xc: {  	[smem:$0x3FB1] =	sst s4  }
0xd: {  	[smem:$0x3FB2] =	sst s5  }
0xe: {  	[smem:$0x3FB3] =	sst s6  }
0xf: {  	[smem:$0x3FB4] =	sst s7  }
0x10: {  	[smem:$0x3FB5] =	sst s8  }
0x11: {  	[smem:$0x3FB6] =	sst s9;
	s0 =	simm.s32 @!p0 $0x0  }
0x12: {  	s1 =	sld [smem:$0x3F9C];
	s0 =	simm.s32 @p0 $0x1  }
0x13: {  	[smem:$0x3FB7] =	sst s0;
	s0 =	simm.s32 @!p1 $0x0  }
0x14: {  	s2 =	sld [smem:$0x3F9B];
	s0 =	simm.s32 @p1 $0x1  }
0x15: {  	[smem:$0x3FB8] =	sst s0;
	s0 =	simm.s32 @!p2 $0x0  }
0x16: {  	s3 =	sld [smem:$0x3FDB];
	s0 =	simm.s32 @p2 $0x1  }
0x17: {  	s4 =	simm.s32 $0x1BF5;
	[smem:$0x3FBA] =	sst s0  }
0x18: {  	s0 =	sld [smem:$0x3F9D];
	_ =	swait.ge [sflag:s4], $0x0  }
0x19: {  	s7 =	sld [smem:$0x3F9E]  }
0x1a: {  	s8 =	sadd.s32 $0xFFFFE003, lr  }
0x1b: {  	s9 =	sadd.s32 $0xFFFFFEF7, lr;
	s5 =	simm.s32 $0xFFFFFFFF;
	p2 =	slt.u32 s8, $0xFFFFF086  }
0x1c: {  	p1 =	slt.u32 s9, $0xF7A;
	s5 =	simm.s32 @!p2 $0x0  }
0x1d: {  	s5 =	simm.s32 @p1 $0x1;
	p0 =	seq.s32 s7, s2  }
0x1e: {  	s7 =	smul.u32 @!p0 $0xF7A, s2;
	p2 =	seq.s32 @!p0 s5, $0x0  }
0x1f: {  	s9 =	smul.u32 $0xF7A, s1;
	s8 =	simm.s32 @!p0 $0x1BF5;
	p2 =	por !p2, p0  }
0x20: {  	[sflag:s8] =	ssyncset.s32 @!p0 $0xFFFFF086;
	s6 =	sadd.s32 @!p0 s3, s7;
	s7 =	simm.s32 @!p0 $0x108  }
0x21: {  	s3 =	sadd.s32 s3, s9;
	s6 =	sadd.s32 @!p0 $0x88, s6;
	s7 =	simm.s32 @p2 $0x1082  }
0x22: {  	[simem:s7], [sflag:s8] =	dma.local @!p0 [hbm:s6], $0xF7A  }
0x23: {  	s9 =	sor.u32 $0xD0000000, s2;
	s6 =	simm.s32 $0x108;
	_ =	swait.ge @!p0 [sflag:s8], $0x0  }
0x24: {  	s3 =	sadd.s32 $0x88, s3;
	s6 =	simm.s32 @!p1 $0x1082;
	[sflag:s4] =	ssyncset.s32 $0xFFFFF086  }
0x25: {  	[simem:s6], [sflag:s4] =	dma.local [hbm:s3], $0xF7A  }
0x26: {  	[smem:$0x3F9E] =	sst s1;
	(tag) =	ssettag s2;
	_ =	strace s9  }
0x27: {  	s1 =	sld [smem:$0x3FAE]  }
0x28: {  	s2 =	sld [smem:$0x3FAF]  }
0x29: {  	s4 =	sld [smem:$0x3FB1]  }
0x2a: {  	p0 =	seq.s32 s5, $0x0;
	s5 =	sld [smem:$0x3FB2]  }
0x2b: {  	s6 =	sld [smem:$0x3FB3]  }
0x2c: {  	s7 =	sld [smem:$0x3FB4]  }
0x2d: {  	s3 =	simm.s32 $0x108;
	s8 =	sld [smem:$0x3FB5]  }
0x2e: {  	s3 =	simm.s32 @!p0 $0x1082;
	s9 =	sld [smem:$0x3FB6]  }
0x2f: {  	lr =	sadd.s32 s0, s3;
	s0 =	sld [smem:$0x3FAD]  }
0x30: {  	s3 =	sld [smem:$0x3FB0]  }
0x31: {  	[smem:$0x3FB9] =	sst s10  }
0x32: {  	s10 =	sld [smem:$0x3FB7];
	_ =	sdelay $0x3  }
0x33: {  	p0 =	seq.s32 s10, $0x1;
	s10 =	sld [smem:$0x3FB9];
	_ =	sdelay $0x3  }
0x34: {  	[smem:$0x3FB9] =	sst s10  }
0x35: {  	s10 =	sld [smem:$0x3FB8];
	_ =	sdelay $0x3  }
0x36: {  	p1 =	seq.s32 s10, $0x1;
	s10 =	sld [smem:$0x3FB9];
	_ =	sdelay $0x3  }
0x37: {  	[smem:$0x3FB9] =	sst s10  }
0x38: {  	s10 =	sld [smem:$0x3FBA]  }
0x39: {  	_ = 	snop;
	(pc) =	sbr.ind lr, $3  }
0x3a: {  	_ = 	snop  }
0x3b: {  	_ = 	snop  }
0x3c: {  	p2 =	seq.s32 s10, $0x1;
	s10 =	sld [smem:$0x3FB9]  }
0x3d: {  	_ =	shalt  }
0x3e: {  	_ =	shalt  }
0x3f: {  	_ =	shalt  }
0x40: {  	_ =	shalt  }
0x41: {  	_ =	shalt  }
0x42: {  	_ =	shalt  }
0x43: {  	_ =	shalt  }
0x44: {  	_ =	shalt  }
0x45: {  	_ =	shalt  }
0x46: {  	_ =	shalt  }
0x47: {  	_ =	shalt  }
0x48: {  	_ =	shalt  }
0x49: {  	_ =	shalt  }
0x4a: {  	_ =	shalt  }
0x4b: {  	_ =	shalt  }
0x4c: {  	_ =	shalt  }
0x4d: {  	_ =	shalt  }
0x4e: {  	_ =	shalt  }
0x4f: {  	_ =	shalt  }
0x50: {  	_ =	shalt  }
0x51: {  	_ =	shalt  }
0x52: {  	_ =	shalt  }
0x53: {  	_ =	shalt  }
0x54: {  	_ =	shalt  }
0x55: {  	_ =	shalt  }
0x56: {  	_ =	shalt  }
0x57: {  	_ =	shalt  }
0x58: {  	_ =	shalt  }
0x59: {  	_ =	shalt  }
0x5a: {  	_ =	shalt  }
0x5b: {  	_ =	shalt  }
0x5c: {  	_ =	shalt  }
0x5d: {  	_ =	shalt  }
0x5e: {  	_ =	shalt  }
0x5f: {  	_ =	shalt  }
0x60: {  	_ =	shalt  }
0x61: {  	_ =	shalt  }
0x62: {  	_ =	shalt  }
0x63: {  	_ =	shalt  }
0x64: {  	_ =	shalt  }
0x65: {  	_ =	shalt  }
0x66: {  	_ =	shalt  }
0x67: {  	_ =	shalt  }
0x68: {  	_ =	shalt  }
0x69: {  	_ =	shalt  }
0x6a: {  	_ =	shalt  }
0x6b: {  	_ =	shalt  }
0x6c: {  	_ =	shalt  }
0x6d: {  	_ =	shalt  }
0x6e: {  	_ =	shalt  }
0x6f: {  	_ =	shalt  }
0x70: {  	_ =	shalt  }
0x71: {  	_ =	shalt  }
0x72: {  	_ =	shalt  }
0x73: {  	_ =	shalt  }
0x74: {  	_ =	shalt  }
0x75: {  	_ =	shalt  }
0x76: {  	_ =	shalt  }
0x77: {  	_ =	shalt  }
0x78: {  	_ =	shalt  }
0x79: {  	_ =	shalt  }
0x7a: {  	_ =	shalt  }
0x7b: {  	_ =	shalt  }
0x7c: {  	_ =	shalt  }
0x7d: {  	_ =	shalt  }
0x7e: {  	_ =	shalt  }
0x7f: {  	_ =	shalt  }
0x80: {  	_ =	shalt  }
0x81: {  	_ =	shalt  }
0x82: {  	_ =	shalt  }
0x83: {  	_ =	shalt  }
0x84: {  	_ =	shalt  }
0x85: {  	_ =	shalt  }
0x86: {  	_ =	shalt  }
0x87: {  	_ =	shalt  }
.Lfunc_end0:
.L_simem_size_0:
called_computation_lowered:
.L_overlay_start_0:
0x88: {  	s2 =	sld [smem:$0x3FD9]  }
0x89: {  	s3 =	sld [smem:$0x3FFE];
	_ =	sdelay $0x1  }
0x8a: {  	s1 =	srdreg.scid  }
0x8b: {  	s0 =	sand.u32 $0x1, s1  }
0x8c: {  	s17 =	sshll.u32 s0, $0xA;
	s2 =	sadd.s32 s3, s2  }
0x8d: {  	s2 =	sadd.s32 s2, s17  }
0x8e: {  	[smem:$0x3FC5] =	sst s2  }
0x8f: {  	_ = 	snop  }
0x90: {  	s2 =	sld [smem:$0x3FD0];
	(tm) =	ssettm $0x1  }
0x91: {  	s18 =	sld [smem:$0x3FFB];
	_ =	sdelay $0x3  }
0x92: {  	_ =	strace s18  }
0x93: {  	s3 =	sld [smem:$0x3FFC];
	_ =	sdelay $0x3  }
0x94: {  	_ =	strace s3  }
0x95: {  	s3 =	sld [smem:$0x3FFD];
	_ =	sdelay $0x3  }
0x96: {  	_ =	strace s3  }
0x97: {  	_ =	strace $0x8FFFFFFF  }
0x98: {  	s19 =	sld [smem:$0x3FDB];
	_ =	sdelay $0x1  }
0x99: {  	s4 =	simm.s32 $_scs_section_size  }
0x9a: {  	s5 =	simm.s32 $_size__tile_overlayer_lowered;
	s6 =	simm.s32 $_tile_overlayer_lowered  }
0x9b: {  	s22 =	simm.s32 $0x1BFF;
	s21 =	sshll.u32 s6, $0x1;
	s3 =	sadd.s32 s4, s19  }
0x9c: {  	s7 =	simm.s32 $0x0;
	s20 =	sshll.u32 s5, $0x1;
	s5 =	sadd.s32 s21, s3  }
0x9d: {  	[timem:s7], [sflag:s22] =	dma.local [hbm:s5], s20  }
0x9e: {  	_ =	swait.ge [sflag:s22], s20  }
0x9f: {  	s4 =	ssub.s32 $0x0, s20;
	[sflag:s22] =	ssyncset.done $0x0  }
0xa0: {  	[sflag:s22] =	ssyncadd.s32 s4;
	_ =	sdelay $0x1  }
0xa1: {  	s23 =	simm.s32 $0x1B8B  }
0xa2: {  	_ =	swait.ge [sflag:s23], $0x1  }
0xa3: {  	[sflag:s23] =	ssyncset.done $0x0  }
0xa4: {  	s25 =	simm.s32 $0x1B8E;
	s24 =	sld [smem:$0x3FFE];
	[sflag:s23] =	ssyncadd.s32 $0xFFFFFFFF  }
0xa5: {  	s26 =	simm.s32 $execute0_lowered;
	[smem:$0x3FD2] =	sst s25  }
0xa6: {  	s5 =	sshll.u32 s26, $0x1;
	_ =	strace $0x80000046;
	[dreg:$0x1] =	wrdreg $0xFFFFFFFF  }
0xa7: {  	s28 =	simm.s32 $_size_execute0_lowered;
	s3 =	sadd.s32 s3, s5;
	[dreg:$0x0] =	wrdreg $0x0  }
0xa8: {  	s5 =	sshll.u32 s28, $0x1;
	[dreg:$0x2] =	wrdreg s3  }
0xa9: {  	[dreg:$0x3] =	wrdreg s5  }
0xaa: {  	[dreg:$0x4] =	wrdreg $0xC0  }
0xab: {  	_ =	task [dreg:s7], $0x5FFFF  }
0xac: {  	[dreg:$0x1] =	wrdreg $0xFFFFFFFF  }
0xad: {  	[dreg:$0x0] =	wrdreg $0x60  }
0xae: {  	[dreg:$0x2] =	wrdreg s2  }
0xaf: {  	[dreg:$0x3] =	wrdreg s24  }
0xb0: {  	[dreg:$0x4] =	wrdreg $0x9  }
0xb1: {  	_ =	task.clear_ibuf [dreg:s7], $0x5FFFF;
	_ =	strace $0x90000046  }
0xb2: {  	s29 =	simm.s32 $0x9;
	_ =	strace $0x80000048  }
0xb3: {  	_ =	swait.ge [sflag:s29], $0x1  }
0xb4: {  	[sflag:s29] =	ssyncadd.s32 $0xFFFFFFFF  }
0xb5: {  	_ =	strace $0x90000048  }
0xb6: {  	_ =	sfence  }
0xb7: {  	s30 =	sld [smem:$0x0];
	_ =	sdelay $0x2  }
0xb8: {  	s31 =	sshll.u32 s1, $0xD;
	s1 =	sshrl.u32 s1, $0x2  }
0xb9: {  	s3 =	sand.u32 $0x4000, s31;
	s1 =	sadd.s32 s1, s30  }
0xba: {  	s0 =	sor.u32 s3, s0;
	s1 =	sshll.u32 s1, $0x11  }
0xbb: {  	s0 =	sor.u32 s1, s0  }
0xbc: {  	s0 =	sadd.s32 $0x8F2B, s0  }
0xbd: {  	[sflag:s0] =	ssyncadd.remote.s32 $0x1  }
0xbe: {  	_ =	sfence.sel $0xFFFF  }
0xbf: {  	[dreg:$0x0] =	wrdreg $0xFFFFFFFF;
	(pc) =	sbr.abs _section_cstart, $3  }
0xc0: {  	[dreg:$0x1] =	wrdreg $0xFFFFFFFF  }
0xc1: {  	_ =	task.clear_ibuf [dreg:s7], $0x2FFFF;
	_ =	strace $0x9FFFFFFF  }
0xc2: {  	(tm) =	ssettm $0x7FFFFFFF  }
0xc3: {  	_ =	shalt  }
tec
execute0_lowered:
.L_overlay_start_1:
0x0: {  	(tag) =	ssettag $0x1  }
0x1: {  	s0 =	rddreg [dreg:$0x0]  }
0x2: {  	s1 =	rddreg [dreg:$0x1]  }
0x3: {  	s2 =	srdreg.scid;
	s4 =	stileid.u32;
	s11 =	simm.s32 $0xC8  }
0x4: {  	s12 =	simm.s32 $0x7D00;
	s13 =	simm.s32 $0x9600;
	s14 =	simm.s32 $0x190  }
0x5: {  	s15 =	simm.s32 $0xAF00;
	s16 =	simm.s32 $0x258;
	s17 =	simm.s32 $0xC800  }
0x6: {  	s18 =	simm.s32 $0x1;
	s19 =	simm.s32 $0xE100;
	s20 =	simm.s32 $0x2  }
0x7: {  	s21 =	simm.s32 $0xFA00;
	s22 =	simm.s32 $0x3;
	s23 =	simm.s32 $0x5  }
0x8: {  	s24 =	simm.s32 $0x4;
	s25 =	simm.s32 $0x6;
	s26 =	simm.s32 $0x0  }
0x9: {  	s3 =	sand.u32 $0x1, s2;
	s2 =	simm.s32 $0x0;
	s4 =	sshll.u32 s4, $0x8  }
.Ltmp0:
0xa: {  	s5 =	sshll.u32 s3, $0x7;
	[smem:$0x7FF] =	sst s2;
	(pc) =	sbr.rel .LBB2_1-.Ltmp0, $4  }
0xb: {  	s6 =	ssub.s32 $0x2, s3;
	s3 =	sor.u32 s5, s4;
	_ =	strace $0x80000047  }
0xc: {  	s7 =	sshrl.u32 s6, $0x1;
	s4 =	sadd.s32 $0x800, s1;
	s8 =	smul.u32 $0x19, s3  }
0xd: {  	s5 =	sadd.s32 $0x400, s1;
	s9 =	ssub.s32 s6, s7;
	s6 =	sadd.s32 $0x3D1200, s1  }
0xe: {  	s7 =	sadd.s32 s0, s8;
	s8 =	smax.u32 s9, $0x1;
	s9 =	simm.s32 $0x7  }
.LBB2_12:
0xf: {  	s26 =	sadd.s32 $0x1, s26  }
0x10: {  	_ =	swait.ge [sflag:s23], $0x1900;
	p0 =	sne.s32 s26, s8  }
.Ltmp1:
0x11: {  	[sflag:s23] =	ssyncset.done $0x0;
	(pc) =	sbr.rel @!p0 .LBB2_13-.Ltmp1, $4  }
0x12: {  	[sflag:s23] =	ssyncadd.s32 $0xFFFFE700  }
0x13: {  	_ =	swait.ge [sflag:s25], $0x1900  }
0x14: {  	[sflag:s25] =	ssyncset.done $0x0  }
0x15: {  	[sflag:s25] =	ssyncadd.s32 $0xFFFFE700  }
.LBB2_1:
0x16: {  	[tilespmem:s2], [sflag:$0x7] =	stream.linear.gather [hbm4b:s7+s2], $0x6400, $0x38;
	[tilespmem:$0x11300] =	vst v63  }
0x17: {  	_ =	swait.ge [sflag:s9], $0x6400  }
0x18: {  	[sflag:s9] =	ssyncset.done $0x0  }
0x19: {  	s0 =	simm.s32 $0x6400;
	[sflag:s9] =	ssyncadd.s32 $0xFFFF9C00  }
0x1a: {  	[tilespmem:s0], [sflag:$0x7] =	stream.linear.gather [hbm4b:s5+s2], $0x1900, $0x38;
	[tilespmem:$0x11300] =	vst v63  }
0x1b: {  	_ =	swait.ge [sflag:s9], $0x1900  }
0x1c: {  	[sflag:s9] =	ssyncset.done $0x0  }
0x1d: {  	[sflag:s9] =	ssyncadd.s32 $0xFFFFE700  }
0x1e: {  	[tilespmem:s12], [sflag:$0x1] =	stream.indirect.gather [hbm4b:s4+s11], $0x20, s2, s11, $0xb8;
	[tilespmem:$0x11300] =	vst v63  }
0x1f: {  	_ = 	snop  }
0x20: {  	[tilespmem:s13], [sflag:$0x2] =	stream.indirect.gather [hbm4b:s4+s11], $0x20, s11, s11, $0xb8;
	[tilespmem:$0x11300] =	vst v63  }
0x21: {  	_ = 	snop  }
0x22: {  	[tilespmem:s15], [sflag:$0x3] =	stream.indirect.gather [hbm4b:s4+s11], $0x20, s14, s11, $0xb8;
	[tilespmem:$0x11300] =	vst v63  }
0x23: {  	s28 =	simm.s32 $0x0  }
0x24: {  	[tilespmem:s17], [sflag:$0x4] =	stream.indirect.gather [hbm4b:s4+s11], $0x20, s16, s11, $0xb8;
	[tilespmem:$0x11300] =	vst v63  }
.LBB2_2:
0x25: {  	_ =	swait.ge [sflag:s18], $0x1900  }
0x26: {  	p1 =	seq.s32 s28, $0x0;
	[sflag:s18] =	ssyncset.done $0x0  }
0x27: {  	s0 =	simm.s32 @!p1 $0x5;
	[sflag:s18] =	ssyncadd.s32 $0xFFFFE700  }
0x28: {  	_ =	swait.ge @!p1 [sflag:s0], $0x1900  }
0x29: {  	[sflag:s0] =	ssyncset.done @!p1 $0x0  }
0x2a: {  	s30 =	simm.s32 $0x0;
	[sflag:s0] =	ssyncadd.s32 @!p1 $0xFFFFE700  }
0x2b: {  	v0 =	vld [tilespmem:s30+$0x7D70]  }
0x2c: {  	v1 =	vld [tilespmem:s30+$0x6470]  }
0x2d: {  	v2 =	vld [tilespmem:s30+$0x7D00]  }
0x2e: {  	v3 =	vld [tilespmem:s30+$0x6400]  }
0x2f: {  	v4 =	vld [tilespmem:s30+$0x7D10]  }
0x30: {  	v5 =	vld [tilespmem:s30+$0x6410]  }
0x31: {  	v6 =	vld [tilespmem:s30+$0x7D20]  }
0x32: {  	v7 =	vld [tilespmem:s30+$0x7D30]  }
0x33: {  	v0 =	vadd.f32 v1, v0;
	v1 =	vld [tilespmem:s30+$0x6420]  }
0x34: {  	v8 =	vld [tilespmem:s30+$0x6430]  }
0x35: {  	v9 =	vld [tilespmem:s30+$0x6440];
	v2 =	vadd.f32 v3, v2  }
0x36: {  	[tilespmem:s30+$0xE170] =	vst v0;
	v0 =	vadd.f32 v5, v4;
	v5 =	vld [tilespmem:s30+$0x7D40]  }
0x37: {  	v3 =	vld [tilespmem:s30+$0x6450];
	[tilespmem:s30+$0xE100] =	vst v2  }
0x38: {  	v2 =	vld [tilespmem:s30+$0x7D50];
	[tilespmem:s30+$0xE110] =	vst v0;
	v0 =	vadd.f32 v1, v6  }
0x39: {  	v4 =	vld [tilespmem:s30+$0x6460];
	v6 =	vadd.f32 v8, v7  }
0x3a: {  	s0 =	simm.s32 $0x80;
	[tilespmem:s30+$0xE120] =	vst v0;
	v0 =	vld [tilespmem:s30+$0x7D60]  }
0x3b: {  	s29 =	sshll.u32 s28, $0x2;
	s1 =	simm.s32 $0x400;
	v5 =	vadd.f32 v9, v5;
	v1 =	vld [tilespmem:s0+$0x7D70];
	[tilespmem:s30+$0xE130] =	vst v6  }
.LBB2_3:
0x3c: {  	p0 =	sne.s32 s1, $0x6200;
	v6 =	vld [tilespmem:s0+$0x6470]  }
0x3d: {  	v7 =	vld [tilespmem:s0+$0x7D00];
	[tilespmem:s30+$0xE140] =	vst v5;
	v2 =	vadd.f32 v3, v2  }
0x3e: {  	v3 =	vld [tilespmem:s0+$0x6400]  }
0x3f: {  	v5 =	vld [tilespmem:s0+$0x7D10];
	[tilespmem:s30+$0xE150] =	vst v2;
	v0 =	vadd.f32 v4, v0  }
0x40: {  	v2 =	vld [tilespmem:s0+$0x6410]  }
0x41: {  	v4 =	vld [tilespmem:s0+$0x7D20];
	v1 =	vadd.f32 v6, v1;
	[tilespmem:s30+$0xE160] =	vst v0;
	s30 =	smov.u32 s0  }
0x42: {  	v0 =	vld [tilespmem:s30+$0x6420]  }
0x43: {  	v3 =	vadd.f32 v3, v7;
	v6 =	vld [tilespmem:s30+$0x7D30];
	[tilespmem:s30+$0xE170] =	vst v1  }
0x44: {  	v1 =	vld [tilespmem:s30+$0x6430]  }
0x45: {  	[tilespmem:s30+$0xE100] =	vst v3;
	v2 =	vadd.f32 v2, v5;
	v5 =	vld [tilespmem:s30+$0x7D40]  }
0x46: {  	v7 =	vld [tilespmem:s30+$0x6440]  }
.Ltmp2:
0x47: {  	[tilespmem:s30+$0xE110] =	vst v2;
	v0 =	vadd.f32 v0, v4;
	v2 =	vld [tilespmem:s30+$0x7D50];
	(pc) =	sbr.rel @p0 .LBB2_3-.Ltmp2, $4  }
0x48: {  	v3 =	vld [tilespmem:s30+$0x6450]  }
0x49: {  	[tilespmem:s30+$0xE120] =	vst v0;
	v6 =	vadd.f32 v1, v6;
	v0 =	vld [tilespmem:s30+$0x7D60]  }
0x4a: {  	s0 =	sshra.s32 s1, $0x2;
	v4 =	vld [tilespmem:s30+$0x6460]  }
0x4b: {  	s1 =	sadd.s32 $0x200, s1;
	v1 =	vld [tilespmem:s0+$0x7D70];
	[tilespmem:s30+$0xE130] =	vst v6;
	v5 =	vadd.f32 v7, v5  }
0x4c: {  	v6 =	vld [tilespmem:s0+$0x6470]  }
0x4d: {  	v7 =	vld [tilespmem:s0+$0x7D00];
	[tilespmem:s30+$0xE140] =	vst v5;
	v2 =	vadd.f32 v3, v2  }
0x4e: {  	v3 =	vld [tilespmem:s0+$0x6400]  }
0x4f: {  	v5 =	vld [tilespmem:s0+$0x7D10];
	[tilespmem:s30+$0xE150] =	vst v2;
	v0 =	vadd.f32 v4, v0  }
0x50: {  	v2 =	vld [tilespmem:s0+$0x6410]  }
0x51: {  	v4 =	vld [tilespmem:s0+$0x7D20];
	[tilespmem:s30+$0xE160] =	vst v0  }
0x52: {  	v0 =	vadd.f32 v6, v1;
	v1 =	vld [tilespmem:s0+$0x6420]  }
0x53: {  	v6 =	vld [tilespmem:s0+$0x7D30]  }
0x54: {  	v3 =	vadd.f32 v3, v7;
	[tilespmem:s0+$0xE170] =	vst v0;
	v0 =	vld [tilespmem:s0+$0x6430]  }
0x55: {  	v7 =	vld [tilespmem:s0+$0x6460]  }
0x56: {  	[tilespmem:s0+$0xE100] =	vst v3;
	v2 =	vadd.f32 v2, v5;
	v3 =	vld [tilespmem:s0+$0x7D40]  }
0x57: {  	v5 =	vld [tilespmem:s0+$0x6440]  }
0x58: {  	[tilespmem:s0+$0xE110] =	vst v2;
	v1 =	vadd.f32 v1, v4;
	v2 =	vld [tilespmem:s0+$0x7D50]  }
0x59: {  	v4 =	vld [tilespmem:s0+$0x6450]  }
0x5a: {  	[tilespmem:s0+$0xE120] =	vst v1;
	v1 =	vld [tilespmem:s0+$0x7D60];
	_ =	sdelay $0x1  }
0x5b: {  	s1 =	sadd.s32 s3, s29;
	v0 =	vadd.f32 v0, v6  }
0x5c: {  	s1 =	smul.u32 $0x320, s1;
	v3 =	vadd.f32 v5, v3  }
0x5d: {  	p0 =	seq.s32 s28, $0x1F;
	[tilespmem:s0+$0xE130] =	vst v0;
	v0 =	vadd.f32 v4, v2  }
0x5e: {  	s10 =	sadd.s32 s6, s1;
	s1 =	smul.u32 @!p0 $0xC80, s28;
	[tilespmem:s0+$0xE140] =	vst v3;
	v1 =	vadd.f32 v7, v1  }
0x5f: {  	[tilespmem:s0+$0xE150] =	vst v0  }
0x60: {  	s30 =	sshra.s32 @!p0 s1, $0x2;
	[tilespmem:s0+$0xE160] =	vst v1  }
0x61: {  	[hbm4b:s10+s2] =	stream.linear.scatter [tilespmem:s19], [sflag:$0x5], $0x1900, $0x38;
	[tilespmem:$0x11300] =	vst v63  }
0x62: {  	s1 =	simm.s32 @!p0 $0xC8;
	s0 =	sadd.s32 @!p0 $0x320, s30;
	s10 =	simm.s32 @!p0 $0x7D00  }
0x63: {  	[tilespmem:s10], [sflag:$0x1] =	stream.indirect.gather @!p0 [hbm4b:s4+s1], $0x20, s0, s1, $0xb8;
	[tilespmem:$0x11300] =	vst v63  }
0x64: {  	_ =	swait.ge [sflag:s20], $0x1900  }
0x65: {  	[sflag:s20] =	ssyncset.done $0x0  }
0x66: {  	s0 =	simm.s32 @!p1 $0x6;
	[sflag:s20] =	ssyncadd.s32 $0xFFFFE700  }
0x67: {  	_ =	swait.ge @!p1 [sflag:s0], $0x1900  }
0x68: {  	[sflag:s0] =	ssyncset.done @!p1 $0x0  }
0x69: {  	s31 =	simm.s32 $0x0;
	[sflag:s0] =	ssyncadd.s32 @!p1 $0xFFFFE700  }
0x6a: {  	v0 =	vld [tilespmem:s31+$0x9670]  }
0x6b: {  	v1 =	vld [tilespmem:s31+$0x6470]  }
0x6c: {  	v2 =	vld [tilespmem:s31+$0x9600]  }
0x6d: {  	v3 =	vld [tilespmem:s31+$0x6400]  }
0x6e: {  	v4 =	vld [tilespmem:s31+$0x9610]  }
0x6f: {  	v5 =	vld [tilespmem:s31+$0x6410]  }
0x70: {  	v6 =	vld [tilespmem:s31+$0x9620]  }
0x71: {  	v7 =	vld [tilespmem:s31+$0x9630]  }
0x72: {  	v0 =	vadd.f32 v1, v0;
	v1 =	vld [tilespmem:s31+$0x6420]  }
0x73: {  	v8 =	vld [tilespmem:s31+$0x6430]  }
0x74: {  	v9 =	vld [tilespmem:s31+$0x6440];
	v2 =	vadd.f32 v3, v2  }
0x75: {  	[tilespmem:s31+$0xFA70] =	vst v0;
	v0 =	vadd.f32 v5, v4;
	v5 =	vld [tilespmem:s31+$0x9640]  }
0x76: {  	v3 =	vld [tilespmem:s31+$0x6450];
	[tilespmem:s31+$0xFA00] =	vst v2  }
0x77: {  	v2 =	vld [tilespmem:s31+$0x9650];
	[tilespmem:s31+$0xFA10] =	vst v0;
	v0 =	vadd.f32 v1, v6  }
0x78: {  	v4 =	vld [tilespmem:s31+$0x6460];
	v6 =	vadd.f32 v8, v7  }
0x79: {  	s1 =	simm.s32 $0x80;
	[tilespmem:s31+$0xFA20] =	vst v0;
	v0 =	vld [tilespmem:s31+$0x9660]  }
0x7a: {  	s10 =	simm.s32 $0x400;
	s0 =	sor.u32 $0x1, s29;
	v5 =	vadd.f32 v9, v5;
	v1 =	vld [tilespmem:s1+$0x9670];
	[tilespmem:s31+$0xFA30] =	vst v6  }
.LBB2_5:
0x7b: {  	p1 =	sne.s32 s10, $0x6200;
	v6 =	vld [tilespmem:s1+$0x6470]  }
0x7c: {  	v7 =	vld [tilespmem:s1+$0x9600];
	[tilespmem:s31+$0xFA40] =	vst v5;
	v2 =	vadd.f32 v3, v2  }
0x7d: {  	v3 =	vld [tilespmem:s1+$0x6400]  }
0x7e: {  	v5 =	vld [tilespmem:s1+$0x9610];
	[tilespmem:s31+$0xFA50] =	vst v2;
	v0 =	vadd.f32 v4, v0  }
0x7f: {  	v2 =	vld [tilespmem:s1+$0x6410]  }
0x80: {  	v4 =	vld [tilespmem:s1+$0x9620];
	v1 =	vadd.f32 v6, v1;
	[tilespmem:s31+$0xFA60] =	vst v0;
	s31 =	smov.u32 s1  }
0x81: {  	v0 =	vld [tilespmem:s31+$0x6420]  }
0x82: {  	v3 =	vadd.f32 v3, v7;
	v6 =	vld [tilespmem:s31+$0x9630];
	[tilespmem:s31+$0xFA70] =	vst v1  }
0x83: {  	v1 =	vld [tilespmem:s31+$0x6430]  }
0x84: {  	[tilespmem:s31+$0xFA00] =	vst v3;
	v2 =	vadd.f32 v2, v5;
	v5 =	vld [tilespmem:s31+$0x9640]  }
0x85: {  	v7 =	vld [tilespmem:s31+$0x6440]  }
.Ltmp3:
0x86: {  	[tilespmem:s31+$0xFA10] =	vst v2;
	v0 =	vadd.f32 v0, v4;
	v2 =	vld [tilespmem:s31+$0x9650];
	(pc) =	sbr.rel @p1 .LBB2_5-.Ltmp3, $4  }
0x87: {  	v3 =	vld [tilespmem:s31+$0x6450]  }
0x88: {  	[tilespmem:s31+$0xFA20] =	vst v0;
	v6 =	vadd.f32 v1, v6;
	v0 =	vld [tilespmem:s31+$0x9660]  }
0x89: {  	s1 =	sshra.s32 s10, $0x2;
	v4 =	vld [tilespmem:s31+$0x6460]  }
0x8a: {  	s10 =	sadd.s32 $0x200, s10;
	v1 =	vld [tilespmem:s1+$0x9670];
	[tilespmem:s31+$0xFA30] =	vst v6;
	v5 =	vadd.f32 v7, v5  }
0x8b: {  	v6 =	vld [tilespmem:s1+$0x6470]  }
0x8c: {  	v7 =	vld [tilespmem:s1+$0x9600];
	[tilespmem:s31+$0xFA40] =	vst v5;
	v2 =	vadd.f32 v3, v2  }
0x8d: {  	v3 =	vld [tilespmem:s1+$0x6400]  }
0x8e: {  	v5 =	vld [tilespmem:s1+$0x9610];
	[tilespmem:s31+$0xFA50] =	vst v2;
	v0 =	vadd.f32 v4, v0  }
0x8f: {  	v2 =	vld [tilespmem:s1+$0x6410]  }
0x90: {  	v4 =	vld [tilespmem:s1+$0x9620];
	[tilespmem:s31+$0xFA60] =	vst v0  }
0x91: {  	v0 =	vadd.f32 v6, v1;
	v1 =	vld [tilespmem:s1+$0x6420]  }
0x92: {  	v6 =	vld [tilespmem:s1+$0x9630]  }
0x93: {  	v3 =	vadd.f32 v3, v7;
	[tilespmem:s1+$0xFA70] =	vst v0;
	v0 =	vld [tilespmem:s1+$0x6430]  }
0x94: {  	v7 =	vld [tilespmem:s1+$0x6460]  }
0x95: {  	[tilespmem:s1+$0xFA00] =	vst v3;
	v2 =	vadd.f32 v2, v5;
	v3 =	vld [tilespmem:s1+$0x9640]  }
0x96: {  	v5 =	vld [tilespmem:s1+$0x6440]  }
0x97: {  	[tilespmem:s1+$0xFA10] =	vst v2;
	v1 =	vadd.f32 v1, v4;
	v2 =	vld [tilespmem:s1+$0x9650]  }
0x98: {  	v4 =	vld [tilespmem:s1+$0x6450]  }
0x99: {  	[tilespmem:s1+$0xFA20] =	vst v1;
	v1 =	vld [tilespmem:s1+$0x9660];
	_ =	sdelay $0x1  }
0x9a: {  	v0 =	vadd.f32 v0, v6  }
0x9b: {  	v3 =	vadd.f32 v5, v3  }
0x9c: {  	s0 =	sadd.s32 s3, s0;
	[tilespmem:s1+$0xFA30] =	vst v0;
	v0 =	vadd.f32 v4, v2  }
0x9d: {  	s0 =	smul.u32 $0x320, s0;
	[tilespmem:s1+$0xFA40] =	vst v3;
	v1 =	vadd.f32 v7, v1  }
0x9e: {  	[tilespmem:s1+$0xFA50] =	vst v0  }
0x9f: {  	s0 =	sadd.s32 s6, s0;
	[tilespmem:s1+$0xFA60] =	vst v1  }
0xa0: {  	[hbm4b:s0+s2] =	stream.linear.scatter [tilespmem:s21], [sflag:$0x6], $0x1900, $0x38;
	[tilespmem:$0x11300] =	vst v63  }
0xa1: {  	s10 =	simm.s32 @!p0 $0x9600;
	s1 =	simm.s32 @!p0 $0xC8;
	s0 =	sadd.s32 @!p0 $0x3E8, s30  }
0xa2: {  	[tilespmem:s10], [sflag:$0x2] =	stream.indirect.gather @!p0 [hbm4b:s4+s1], $0x20, s0, s1, $0xb8;
	[tilespmem:$0x11300] =	vst v63  }
0xa3: {  	_ =	swait.ge [sflag:s22], $0x1900  }
0xa4: {  	[sflag:s22] =	ssyncset.done $0x0  }
0xa5: {  	[sflag:s22] =	ssyncadd.s32 $0xFFFFE700  }
0xa6: {  	_ =	swait.ge [sflag:s23], $0x1900  }
0xa7: {  	[sflag:s23] =	ssyncset.done $0x0  }
0xa8: {  	s31 =	simm.s32 $0x0;
	[sflag:s23] =	ssyncadd.s32 $0xFFFFE700  }
0xa9: {  	v0 =	vld [tilespmem:s31+$0xAF70]  }
0xaa: {  	v1 =	vld [tilespmem:s31+$0x6470]  }
0xab: {  	v2 =	vld [tilespmem:s31+$0xAF00]  }
0xac: {  	v3 =	vld [tilespmem:s31+$0x6400]  }
0xad: {  	v4 =	vld [tilespmem:s31+$0xAF10]  }
0xae: {  	v5 =	vld [tilespmem:s31+$0x6410]  }
0xaf: {  	v6 =	vld [tilespmem:s31+$0xAF20]  }
0xb0: {  	v7 =	vld [tilespmem:s31+$0xAF30]  }
0xb1: {  	v0 =	vadd.f32 v1, v0;
	v1 =	vld [tilespmem:s31+$0x6420]  }
0xb2: {  	v8 =	vld [tilespmem:s31+$0x6430]  }
0xb3: {  	v9 =	vld [tilespmem:s31+$0x6440];
	v2 =	vadd.f32 v3, v2  }
0xb4: {  	[tilespmem:s31+$0xE170] =	vst v0;
	v0 =	vadd.f32 v5, v4;
	v5 =	vld [tilespmem:s31+$0xAF40]  }
0xb5: {  	v3 =	vld [tilespmem:s31+$0x6450];
	[tilespmem:s31+$0xE100] =	vst v2  }
0xb6: {  	v2 =	vld [tilespmem:s31+$0xAF50];
	[tilespmem:s31+$0xE110] =	vst v0;
	v0 =	vadd.f32 v1, v6  }
0xb7: {  	v4 =	vld [tilespmem:s31+$0x6460];
	v6 =	vadd.f32 v8, v7  }
0xb8: {  	s0 =	simm.s32 $0x80;
	[tilespmem:s31+$0xE120] =	vst v0;
	v0 =	vld [tilespmem:s31+$0xAF60]  }
0xb9: {  	s1 =	simm.s32 $0x400;
	v5 =	vadd.f32 v9, v5;
	v1 =	vld [tilespmem:s0+$0xAF70];
	[tilespmem:s31+$0xE130] =	vst v6  }
.LBB2_7:
0xba: {  	p1 =	sne.s32 s1, $0x6200;
	v6 =	vld [tilespmem:s0+$0x6470]  }
0xbb: {  	v7 =	vld [tilespmem:s0+$0xAF00];
	[tilespmem:s31+$0xE140] =	vst v5;
	v2 =	vadd.f32 v3, v2  }
0xbc: {  	v3 =	vld [tilespmem:s0+$0x6400]  }
0xbd: {  	v5 =	vld [tilespmem:s0+$0xAF10];
	[tilespmem:s31+$0xE150] =	vst v2;
	v0 =	vadd.f32 v4, v0  }
0xbe: {  	v2 =	vld [tilespmem:s0+$0x6410]  }
0xbf: {  	v4 =	vld [tilespmem:s0+$0xAF20];
	v1 =	vadd.f32 v6, v1;
	[tilespmem:s31+$0xE160] =	vst v0;
	s31 =	smov.u32 s0  }
0xc0: {  	v0 =	vld [tilespmem:s31+$0x6420]  }
0xc1: {  	v3 =	vadd.f32 v3, v7;
	v6 =	vld [tilespmem:s31+$0xAF30];
	[tilespmem:s31+$0xE170] =	vst v1  }
0xc2: {  	v1 =	vld [tilespmem:s31+$0x6430]  }
0xc3: {  	[tilespmem:s31+$0xE100] =	vst v3;
	v2 =	vadd.f32 v2, v5;
	v5 =	vld [tilespmem:s31+$0xAF40]  }
0xc4: {  	v7 =	vld [tilespmem:s31+$0x6440]  }
.Ltmp4:
0xc5: {  	[tilespmem:s31+$0xE110] =	vst v2;
	v0 =	vadd.f32 v0, v4;
	v2 =	vld [tilespmem:s31+$0xAF50];
	(pc) =	sbr.rel @p1 .LBB2_7-.Ltmp4, $4  }
0xc6: {  	v3 =	vld [tilespmem:s31+$0x6450]  }
0xc7: {  	[tilespmem:s31+$0xE120] =	vst v0;
	v6 =	vadd.f32 v1, v6;
	v0 =	vld [tilespmem:s31+$0xAF60]  }
0xc8: {  	s0 =	sshra.s32 s1, $0x2;
	v4 =	vld [tilespmem:s31+$0x6460]  }
0xc9: {  	s1 =	sadd.s32 $0x200, s1;
	v1 =	vld [tilespmem:s0+$0xAF70];
	[tilespmem:s31+$0xE130] =	vst v6;
	v5 =	vadd.f32 v7, v5  }
0xca: {  	v6 =	vld [tilespmem:s0+$0x6470]  }
0xcb: {  	v7 =	vld [tilespmem:s0+$0xAF00];
	[tilespmem:s31+$0xE140] =	vst v5;
	v2 =	vadd.f32 v3, v2  }
0xcc: {  	v3 =	vld [tilespmem:s0+$0x6400]  }
0xcd: {  	v5 =	vld [tilespmem:s0+$0xAF10];
	[tilespmem:s31+$0xE150] =	vst v2;
	v0 =	vadd.f32 v4, v0  }
0xce: {  	v2 =	vld [tilespmem:s0+$0x6410]  }
0xcf: {  	v4 =	vld [tilespmem:s0+$0xAF20];
	[tilespmem:s31+$0xE160] =	vst v0  }
0xd0: {  	v0 =	vadd.f32 v6, v1;
	v1 =	vld [tilespmem:s0+$0x6420]  }
0xd1: {  	v6 =	vld [tilespmem:s0+$0xAF30]  }
0xd2: {  	v3 =	vadd.f32 v3, v7;
	[tilespmem:s0+$0xE170] =	vst v0;
	v0 =	vld [tilespmem:s0+$0x6430]  }
0xd3: {  	v7 =	vld [tilespmem:s0+$0x6460]  }
0xd4: {  	[tilespmem:s0+$0xE100] =	vst v3;
	v2 =	vadd.f32 v2, v5;
	v3 =	vld [tilespmem:s0+$0xAF40]  }
0xd5: {  	v5 =	vld [tilespmem:s0+$0x6440]  }
0xd6: {  	[tilespmem:s0+$0xE110] =	vst v2;
	v1 =	vadd.f32 v1, v4;
	v2 =	vld [tilespmem:s0+$0xAF50]  }
0xd7: {  	v4 =	vld [tilespmem:s0+$0x6450]  }
0xd8: {  	[tilespmem:s0+$0xE120] =	vst v1;
	v1 =	vld [tilespmem:s0+$0xAF60];
	_ =	sdelay $0x1  }
0xd9: {  	v0 =	vadd.f32 v0, v6  }
0xda: {  	s1 =	sadd.s32 s29, s3;
	v3 =	vadd.f32 v5, v3  }
0xdb: {  	s1 =	smul.u32 $0x320, s1;
	[tilespmem:s0+$0xE130] =	vst v0;
	v0 =	vadd.f32 v4, v2  }
0xdc: {  	[tilespmem:s0+$0xE140] =	vst v3;
	v1 =	vadd.f32 v7, v1  }
0xdd: {  	s29 =	sadd.s32 s6, s1;
	[tilespmem:s0+$0xE150] =	vst v0  }
0xde: {  	s31 =	sadd.s32 $0x640, s29;
	[tilespmem:s0+$0xE160] =	vst v1  }
0xdf: {  	[hbm4b:s31+s2] =	stream.linear.scatter [tilespmem:s19], [sflag:$0x5], $0x1900, $0x38;
	[tilespmem:$0x11300] =	vst v63  }
0xe0: {  	s10 =	simm.s32 @!p0 $0xAF00;
	s1 =	simm.s32 @!p0 $0xC8;
	s0 =	sadd.s32 @!p0 $0x4B0, s30  }
0xe1: {  	[tilespmem:s10], [sflag:$0x3] =	stream.indirect.gather @!p0 [hbm4b:s4+s1], $0x20, s0, s1, $0xb8;
	[tilespmem:$0x11300] =	vst v63  }
0xe2: {  	_ =	swait.ge [sflag:s24], $0x1900  }
0xe3: {  	[sflag:s24] =	ssyncset.done $0x0  }
0xe4: {  	[sflag:s24] =	ssyncadd.s32 $0xFFFFE700  }
0xe5: {  	_ =	swait.ge [sflag:s25], $0x1900  }
0xe6: {  	[sflag:s25] =	ssyncset.done $0x0  }
0xe7: {  	s30 =	simm.s32 $0x0;
	[sflag:s25] =	ssyncadd.s32 $0xFFFFE700  }
0xe8: {  	v0 =	vld [tilespmem:s30+$0xC870]  }
0xe9: {  	v1 =	vld [tilespmem:s30+$0x6470]  }
0xea: {  	v2 =	vld [tilespmem:s30+$0xC800]  }
0xeb: {  	v3 =	vld [tilespmem:s30+$0x6400]  }
0xec: {  	v4 =	vld [tilespmem:s30+$0xC810]  }
0xed: {  	v5 =	vld [tilespmem:s30+$0x6410]  }
0xee: {  	v6 =	vld [tilespmem:s30+$0xC820]  }
0xef: {  	v7 =	vld [tilespmem:s30+$0xC830]  }
0xf0: {  	v0 =	vadd.f32 v1, v0;
	v1 =	vld [tilespmem:s30+$0x6420]  }
0xf1: {  	v8 =	vld [tilespmem:s30+$0x6430]  }
0xf2: {  	v9 =	vld [tilespmem:s30+$0x6440];
	v2 =	vadd.f32 v3, v2  }
0xf3: {  	[tilespmem:s30+$0xFA70] =	vst v0;
	v0 =	vadd.f32 v5, v4;
	v5 =	vld [tilespmem:s30+$0xC840]  }
0xf4: {  	v3 =	vld [tilespmem:s30+$0x6450];
	[tilespmem:s30+$0xFA00] =	vst v2  }
0xf5: {  	v2 =	vld [tilespmem:s30+$0xC850];
	[tilespmem:s30+$0xFA10] =	vst v0;
	v0 =	vadd.f32 v1, v6  }
0xf6: {  	v4 =	vld [tilespmem:s30+$0x6460];
	v6 =	vadd.f32 v8, v7  }
0xf7: {  	s0 =	simm.s32 $0x80;
	[tilespmem:s30+$0xFA20] =	vst v0;
	v0 =	vld [tilespmem:s30+$0xC860]  }
0xf8: {  	s1 =	simm.s32 $0x400;
	v5 =	vadd.f32 v9, v5;
	v1 =	vld [tilespmem:s0+$0xC870];
	[tilespmem:s30+$0xFA30] =	vst v6  }
.LBB2_9:
0xf9: {  	p1 =	sne.s32 s1, $0x6200;
	v6 =	vld [tilespmem:s0+$0x6470]  }
0xfa: {  	v7 =	vld [tilespmem:s0+$0xC800];
	[tilespmem:s30+$0xFA40] =	vst v5;
	v2 =	vadd.f32 v3, v2  }
0xfb: {  	v3 =	vld [tilespmem:s0+$0x6400]  }
0xfc: {  	v5 =	vld [tilespmem:s0+$0xC810];
	[tilespmem:s30+$0xFA50] =	vst v2;
	v0 =	vadd.f32 v4, v0  }
0xfd: {  	v2 =	vld [tilespmem:s0+$0x6410]  }
0xfe: {  	v4 =	vld [tilespmem:s0+$0xC820];
	v1 =	vadd.f32 v6, v1;
	[tilespmem:s30+$0xFA60] =	vst v0;
	s30 =	smov.u32 s0  }
0xff: {  	v0 =	vld [tilespmem:s30+$0x6420]  }
0x100: {  	v3 =	vadd.f32 v3, v7;
	v6 =	vld [tilespmem:s30+$0xC830];
	[tilespmem:s30+$0xFA70] =	vst v1  }
0x101: {  	v1 =	vld [tilespmem:s30+$0x6430]  }
0x102: {  	[tilespmem:s30+$0xFA00] =	vst v3;
	v2 =	vadd.f32 v2, v5;
	v5 =	vld [tilespmem:s30+$0xC840]  }
0x103: {  	v7 =	vld [tilespmem:s30+$0x6440]  }
.Ltmp5:
0x104: {  	[tilespmem:s30+$0xFA10] =	vst v2;
	v0 =	vadd.f32 v0, v4;
	v2 =	vld [tilespmem:s30+$0xC850];
	(pc) =	sbr.rel @p1 .LBB2_9-.Ltmp5, $4  }
0x105: {  	v3 =	vld [tilespmem:s30+$0x6450]  }
0x106: {  	[tilespmem:s30+$0xFA20] =	vst v0;
	v6 =	vadd.f32 v1, v6;
	v0 =	vld [tilespmem:s30+$0xC860]  }
0x107: {  	s0 =	sshra.s32 s1, $0x2;
	v4 =	vld [tilespmem:s30+$0x6460]  }
0x108: {  	s1 =	sadd.s32 $0x200, s1;
	v1 =	vld [tilespmem:s0+$0xC870];
	[tilespmem:s30+$0xFA30] =	vst v6;
	v5 =	vadd.f32 v7, v5  }
0x109: {  	v6 =	vld [tilespmem:s0+$0x6470]  }
0x10a: {  	v7 =	vld [tilespmem:s0+$0xC800];
	[tilespmem:s30+$0xFA40] =	vst v5;
	v2 =	vadd.f32 v3, v2  }
0x10b: {  	v51 =	vld [tilespmem:s0+$0x6400]  }
0x10c: {  	v5 =	vld [tilespmem:s0+$0xC810];
	[tilespmem:s30+$0xFA50] =	vst v2;
	v0 =	vadd.f32 v4, v0  }
0x10d: {  	v2 =	vld [tilespmem:s0+$0x6410]  }
0x10e: {  	v52 =	vld [tilespmem:s0+$0xC820];
	[tilespmem:s30+$0xFA60] =	vst v0  }
0x10f: {  	v54 =	vld [tilespmem:s0+$0x6420]  }
0x110: {  	v55 =	vld [tilespmem:s0+$0xC830]  }
0x111: {  	v56 =	vld [tilespmem:s0+$0x6430]  }
0x112: {  	v57 =	vld [tilespmem:s0+$0xC840]  }
0x113: {  	v58 =	vld [tilespmem:s0+$0x6440]  }
0x114: {  	v59 =	vld [tilespmem:s0+$0xC850]  }
0x115: {  	v53 =	vadd.f32 v6, v1;
	v60 =	vld [tilespmem:s0+$0x6450]  }
0x116: {  	v61 =	vld [tilespmem:s0+$0xC860];
	v3 =	vadd.f32 v51, v7  }
0x117: {  	v62 =	vld [tilespmem:s0+$0x6460];
	[tilespmem:s0+$0xFA70] =	vst v53;
	v2 =	vadd.f32 v2, v5  }
0x118: {  	[tilespmem:s0+$0xFA00] =	vst v3;
	v1 =	vadd.f32 v54, v52  }
0x119: {  	[tilespmem:s0+$0xFA10] =	vst v2;
	v0 =	vadd.f32 v56, v55  }
0x11a: {  	v3 =	vadd.f32 v58, v57;
	[tilespmem:s0+$0xFA20] =	vst v1  }
.Ltmp6:
0x11b: {  	v63 =	vadd.f32 v60, v59;
	[tilespmem:s0+$0xFA30] =	vst v0;
	(pc) =	sbr.rel @p0 .LBB2_12-.Ltmp6, $4  }
0x11c: {  	[tilespmem:s0+$0xFA40] =	vst v3;
	v1 =	vadd.f32 v62, v61  }
0x11d: {  	[tilespmem:s0+$0xFA50] =	vst v63  }
0x11e: {  	s31 =	sadd.s32 $0x960, s29;
	[tilespmem:s0+$0xFA60] =	vst v1  }
0x11f: {  	[hbm4b:s31+s2] =	stream.linear.scatter [tilespmem:s21], [sflag:$0x6], $0x1900, $0x38;
	[tilespmem:$0x11300] =	vst v63  }
0x120: {  	s0 =	smul.u32 $0xC80, s28  }
.Ltmp7:
0x121: {  	_ = 	snop;
	(pc) =	sbr.rel .LBB2_2-.Ltmp7, $4  }
0x122: {  	_ = 	snop  }
0x123: {  	s0 =	sshra.s32 s0, $0x2  }
0x124: {  	s28 =	sadd.s32 $0x1, s28;
	s0 =	sadd.s32 $0x578, s0  }
0x125: {  	[tilespmem:s17], [sflag:$0x4] =	stream.indirect.gather [hbm4b:s4+s11], $0x20, s0, s11, $0xb8;
	[tilespmem:$0x11300] =	vst v63  }
.LBB2_13:
0x126: {  	_ =	sfence.sel $0x180000  }
0x127: {  	[bflag:$0x0] =	sbarrier.arrive $0xFFFF  }
0x128: {  	_ =	strace $0x90000047  }
0x129: {  	s0 =	stileid.u32;
	[bflag:$0x2] =	sbarrier.arrive $0xFFFF  }
0x12a: {  	p0 =	sne.s32 s0, $0x0;
	s0 =	rddreg [dreg:$0x2]  }
0x12b: {  	s0 =	sadd.s32 @!p0 $0x100000, s0  }
0x12c: {  	[sflag:s0] =	ssyncadd.tile.s32 @!p0 $0x1;
	_ =	shalt  }
.Lfunc_end2:
_tile_overlayer_lowered:
.L_overlay_start_2:
0x12d: {  	(tag) =	ssettag $0x2  }
0x12e: {  	s0 =	rddreg [dreg:$0x0];
	s2 =	stileid.u32  }
0x12f: {  	s1 =	rddreg [dreg:$0x1];
	p0 =	sne.s32 s2, $0x0  }
0x130: {  	s3 =	rddreg [dreg:$0x2];
	[bflag:$0x3] =	sbarrier.arrive $0xFFFF;
	s2 =	simm.s32 @!p0 $0x1C07  }
0x131: {  	[timem:s3], [sflag:s2] =	dma.local @!p0 [hbm:s0], s1  }
0x132: {  	s0 =	simm.s32 @!p0 $0x7  }
0x133: {  	_ =	swait.ge @!p0 [sflag:s0], s1  }
0x134: {  	s1 =	ssub.s32 @!p0 $0x0, s1;
	[sflag:s0] =	ssyncset.done @!p0 $0x0  }
0x135: {  	[sflag:s0] =	ssyncadd.s32 @!p0 s1  }
0x136: {  	[bflag:$0x3] =	sbarrier.arrive $0xFFFF  }
0x137: {  	_ =	shalt  }

</sc_bundles>
